<compile_context>
chip_gen: v7x
topology: tpu7x:2x2x1
jax: 0.10.2.dev20260603
libtpu: 0.0.44.dev20260713+nightly
codegen_flags: <defaults>
</compile_context>

<pallas_src>
import functools

import jax
import jax.numpy as jnp
from jax import lax
from jax.experimental import pallas as pl
from jax.experimental.pallas import tpu as pltpu
from jax.experimental.pallas import tpu_sc as plsc

_VOCAB = 1000
_HIDDEN = 64
_B = 1024
_L = 50
_TOK = _B * _L
_HP = 128
_NC, _NS = 2, 16
_NW = _NC * _NS
_TPW = _TOK // _NW
_CH = 80
_NCH = _TPW // _CH
_NBUF = 2


def _embed_gather(tab_p, idx2):
    tpw = idx2.shape[1]
    nch = tpw // _CH
    mesh = plsc.VectorSubcoreMesh(
        core_axis_name="c", subcore_axis_name="s",
        num_cores=_NC, num_subcores=_NS)

    @functools.partial(
        pl.kernel,
        out_type=jax.ShapeDtypeStruct((_NW * tpw, _HP), jnp.float32),
        mesh=mesh,
        scratch_types=[
            pltpu.VMEM((tpw,), jnp.int32),
            pltpu.VMEM((_CH, _HP), jnp.float32),
            pltpu.VMEM((_CH, _HP), jnp.float32),
            pltpu.SemaphoreType.DMA,
            pltpu.SemaphoreType.DMA,
            pltpu.SemaphoreType.DMA,
            pltpu.SemaphoreType.DMA,
        ],
    )
    def k(tab_hbm, idx_hbm, out_hbm, idx_v, buf0, buf1, g0, g1, s0, s1):
        wid = lax.axis_index("s") * _NC + lax.axis_index("c")
        base = wid * tpw
        pltpu.sync_copy(idx_hbm.at[wid], idx_v)
        bufs = (buf0, buf1)
        gsems = (g0, g1)
        ssems = (s0, s1)

        def gather(c, b):
            return pltpu.make_async_copy(
                tab_hbm.at[idx_v.at[pl.ds(c * _CH, _CH)]], bufs[b], gsems[b])

        def scatter(c, b):
            return pltpu.make_async_copy(
                bufs[b], out_hbm.at[pl.ds(base + c * _CH, _CH)], ssems[b])

        gather(0, 0).start()
        gather(1, 1).start()

        def body(gi, carry):
            for b in range(_NBUF):
                c = _NBUF * gi + b
                gather(c, b).wait()
                scatter(c, b).start()
            for b in range(_NBUF):
                c = _NBUF * gi + b
                scatter(c, b).wait()

                @pl.when(gi + 1 < nch // _NBUF)
                def _():
                    gather(c + _NBUF, b).start()

            return carry

        lax.fori_loop(0, nch // _NBUF, body, 0)

    return k(tab_p, idx2)


def _head_body(emb_ref, w_ref, b_ref, out_ref):
    x = emb_ref[...][:, :_HIDDEN]
    y = lax.dot_general(
        w_ref[...], x, (((1,), (1,)), ((), ())),
        preferred_element_type=jnp.float32)
    out_ref[...] = (y + b_ref[...])[None]


def _head_body2(prev_ref, emb_ref, w_ref, b_ref, out_ref):
    del prev_ref
    _head_body(emb_ref, w_ref, b_ref, out_ref)


_LH = 20


def _head_matmul_lo(embeds_p, head_w, head_b2):
    return pl.pallas_call(
        _head_body,
        grid=(_LH,),
        in_specs=[
            pl.BlockSpec((_B, _HP), lambda l: (l, 0)),
            pl.BlockSpec((_VOCAB, _HIDDEN), lambda l: (0, 0)),
            pl.BlockSpec((_VOCAB, 1), lambda l: (0, 0)),
        ],
        out_specs=pl.BlockSpec((1, _VOCAB, _B), lambda l: (l, 0, 0)),
        out_shape=jax.ShapeDtypeStruct((_L, _VOCAB, _B), jnp.float32),
    )(embeds_p, head_w, head_b2)


def _head_matmul_hi(prev, embeds_p, head_w, head_b2):
    return pl.pallas_call(
        _head_body2,
        grid=(_L - _LH,),
        in_specs=[
            pl.BlockSpec(memory_space=pl.ANY),
            pl.BlockSpec((_B, _HP), lambda l: (l, 0)),
            pl.BlockSpec((_VOCAB, _HIDDEN), lambda l: (0, 0)),
            pl.BlockSpec((_VOCAB, 1), lambda l: (0, 0)),
        ],
        out_specs=pl.BlockSpec((1, _VOCAB, _B), lambda l: (l + _LH, 0, 0)),
        out_shape=jax.ShapeDtypeStruct((_L, _VOCAB, _B), jnp.float32),
        input_output_aliases={0: 0},
    )(prev, embeds_p, head_w, head_b2)


def kernel(input_ids, emb_table, head_w, head_b):
    ids_lmajor = input_ids.astype(jnp.int32).T.reshape(_TOK)
    tab_p = jnp.pad(emb_table, ((0, 0), (0, _HP - _HIDDEN)))
    half = _LH * _B
    emb_lo = _embed_gather(tab_p, ids_lmajor[:half].reshape(_NW, half // _NW))
    emb_hi = _embed_gather(
        tab_p, ids_lmajor[half:].reshape(_NW, (_TOK - half) // _NW))
    b2 = head_b.reshape(_VOCAB, 1)
    out_lo = _head_matmul_lo(emb_lo, head_w, b2)
    out_t = _head_matmul_hi(out_lo, emb_hi, head_w, b2)
    return jnp.transpose(out_t, (2, 0, 1))

# --- scband reference (transcript-rebuilt; emitter-appended) ---
"""Pipeline reference for scband-simple-policy-24661702214230 (READ-ONLY COPY).

The authoritative reference and input builder live on the scoring server;
editing this copy changes nothing except your own understanding.
"""

import jax, jax.numpy as jnp
import numpy as np

VOCAB = 1000
HIDDEN = 64
B = 1024
L = 50


def setup_inputs(seed: int = 0) -> dict:
    key = jax.random.key(seed)
    k1, k2, k3, k4 = jax.random.split(key, 4)
    input_ids = jax.random.randint(k1, (B, L), 0, VOCAB, dtype=jnp.int64)
    emb_table = jax.random.normal(k2, (VOCAB, HIDDEN), dtype=jnp.float32)
    # torch nn.Linear: weight [out_features, in_features], bias [out_features]
    head_w = jax.random.normal(k3, (VOCAB, HIDDEN), dtype=jnp.float32) * (1.0 / np.sqrt(HIDDEN))
    head_b = jax.random.normal(k4, (VOCAB,), dtype=jnp.float32) * 0.01
    return {"input_ids": input_ids, "emb_table": emb_table, "head_w": head_w, "head_b": head_b}


def reference(input_ids, emb_table, head_w, head_b):
    # embedding lookup (gather)
    embeds = jnp.take(emb_table, input_ids, axis=0)  # [B, L, HIDDEN]
    # linear head: x @ W.T + b
    logits = jnp.einsum("blh,vh->blv", embeds, head_w) + head_b
    return logits

if __name__ == "__main__":
    import jax
    _d = setup_inputs()
    print(jax.jit(kernel)(*tuple(_d.values())))

</pallas_src>

<mosaic_0001>
#map = affine_map<(d0, d1) -> (0, 0)>
module attributes {stable_mosaic.version = 14 : i64} {
  func.func @k(%arg0: i32, %arg1: i32, %arg2: memref<1000x128xf32, #tpu.memory_space<hbm>>, %arg3: memref<32x640xi32, #tpu.memory_space<hbm>>, %arg4: memref<20480x128xf32, #tpu.memory_space<hbm>>, %arg5: memref<640xi32, #tpu.memory_space<vmem>>, %arg6: memref<80x128xf32, #tpu.memory_space<vmem>>, %arg7: memref<80x128xf32, #tpu.memory_space<vmem>>, %arg8: memref<!tpu.dma_semaphore, #tpu.memory_space<semaphore_mem>>, %arg9: memref<!tpu.dma_semaphore, #tpu.memory_space<semaphore_mem>>, %arg10: memref<!tpu.dma_semaphore, #tpu.memory_space<semaphore_mem>>, %arg11: memref<!tpu.dma_semaphore, #tpu.memory_space<semaphore_mem>>) attributes {dimension_semantics = [#tpu.dimension_semantics<core_parallel>, #tpu.dimension_semantics<subcore_parallel>], iteration_bounds = array<i64: 2, 16>, scalar_prefetch = 0 : i64, scratch_operands = 7 : i64, tpu.core_type = #tpu.core_type<sc_vector_subcore>, window_params = [{transform_indices = #map}, {transform_indices = #map}, {transform_indices = #map}]} {
    %mul3A = arith.constant 2 : i32
    %mul3A_0 = arith.muli %arg1, %mul3A : i32
    %add3A = arith.addi %mul3A_0, %arg0 : i32
    %mul3A_1 = arith.constant 640 : i32
    %mul3A_2 = arith.muli %add3A, %mul3A_1 : i32
    "tpu.region"() ({
      %run_scoped3A = tpu.sem_alloc : memref<!tpu.dma_semaphore, #tpu.memory_space<semaphore_mem>>
      %dma_start3A_17 = arith.constant 0 : i32
      %dma_start3A_18 = tpu.memref_slice %arg3[%add3A, %dma_start3A_17] : memref<32x640xi32, #tpu.memory_space<hbm>> -> memref<1x640xi32, #tpu.memory_space<hbm>>
      %dma_start3A_19 = tpu.memref_squeeze %dma_start3A_18 : memref<1x640xi32, #tpu.memory_space<hbm>> -> memref<640xi32, #tpu.memory_space<hbm>>
      %dma_start3A_20 = arith.constant 0 : i32
      %dma_start3A_21 = tpu.memref_slice %arg3[%add3A, %dma_start3A_20] : memref<32x640xi32, #tpu.memory_space<hbm>> -> memref<1x640xi32, #tpu.memory_space<hbm>>
      %dma_start3A_22 = tpu.memref_squeeze %dma_start3A_21 : memref<1x640xi32, #tpu.memory_space<hbm>> -> memref<640xi32, #tpu.memory_space<hbm>>
      tpu.enqueue_dma source(%dma_start3A_22 : memref<640xi32, #tpu.memory_space<hbm>>) target(%arg5 : memref<640xi32, #tpu.memory_space<vmem>>) target_semaphore(%run_scoped3A : memref<!tpu.dma_semaphore, #tpu.memory_space<semaphore_mem>>)
      %dma_wait3A = arith.constant 0 : i32
      %dma_wait3A_23 = tpu.memref_slice %arg3[%add3A, %dma_wait3A] : memref<32x640xi32, #tpu.memory_space<hbm>> -> memref<1x640xi32, #tpu.memory_space<hbm>>
      %dma_wait3A_24 = tpu.memref_squeeze %dma_wait3A_23 : memref<1x640xi32, #tpu.memory_space<hbm>> -> memref<640xi32, #tpu.memory_space<hbm>>
      %dma_wait3A_25 = arith.constant 0 : i32
      %dma_wait3A_26 = tpu.memref_slice %arg3[%add3A, %dma_wait3A_25] : memref<32x640xi32, #tpu.memory_space<hbm>> -> memref<1x640xi32, #tpu.memory_space<hbm>>
      %dma_wait3A_27 = tpu.memref_squeeze %dma_wait3A_26 : memref<1x640xi32, #tpu.memory_space<hbm>> -> memref<640xi32, #tpu.memory_space<hbm>>
      tpu.wait_dma2 semaphore(%run_scoped3A : memref<!tpu.dma_semaphore, #tpu.memory_space<semaphore_mem>>) src(%dma_wait3A_27 : memref<640xi32, #tpu.memory_space<hbm>>) dst(%arg5 : memref<640xi32, #tpu.memory_space<vmem>>)
      tpu.yield
    }) : () -> ()
    %dma_start3A = arith.constant 0 : i32
    %dma_start3A_3 = tpu.memref_slice %arg5[%dma_start3A] : memref<640xi32, #tpu.memory_space<vmem>> -> memref<80xi32, #tpu.memory_space<vmem>>
    %dma_start3A_4 = arith.constant 0 : i32
    %dma_start3A_5 = arith.constant 0 : i32
    %dma_start3A_6 = tpu.memref_slice %arg2[%dma_start3A_4, %dma_start3A_5] : memref<1000x128xf32, #tpu.memory_space<hbm>> -> memref<1000x128xf32, #tpu.memory_space<hbm>>
    tpu.enqueue_indirect_dma source(%dma_start3A_6 : memref<1000x128xf32, #tpu.memory_space<hbm>>) target(%arg6 : memref<80x128xf32, #tpu.memory_space<vmem>>) offsets(%dma_start3A_3 : memref<80xi32, #tpu.memory_space<vmem>>) semaphore(%arg8 : memref<!tpu.dma_semaphore, #tpu.memory_space<semaphore_mem>>)
    %dma_start3A_7 = arith.constant 80 : i32
    %dma_start3A_8 = tpu.memref_slice %arg5[%dma_start3A_7] : memref<640xi32, #tpu.memory_space<vmem>> -> memref<80xi32, #tpu.memory_space<vmem>>
    %dma_start3A_9 = arith.constant 0 : i32
    %dma_start3A_10 = arith.constant 0 : i32
    %dma_start3A_11 = tpu.memref_slice %arg2[%dma_start3A_9, %dma_start3A_10] : memref<1000x128xf32, #tpu.memory_space<hbm>> -> memref<1000x128xf32, #tpu.memory_space<hbm>>
    tpu.enqueue_indirect_dma source(%dma_start3A_11 : memref<1000x128xf32, #tpu.memory_space<hbm>>) target(%arg7 : memref<80x128xf32, #tpu.memory_space<vmem>>) offsets(%dma_start3A_8 : memref<80xi32, #tpu.memory_space<vmem>>) semaphore(%arg9 : memref<!tpu.dma_semaphore, #tpu.memory_space<semaphore_mem>>)
    %scan3A = arith.constant 0 : i32
    %scan3A_12 = arith.constant 0 : i32
    %scan3A_13 = arith.constant 4 : i32
    %scan3A_14 = arith.addi %scan3A_12, %scan3A_13 : i32
    %scan3A_15 = arith.constant 1 : i32
    scf.for %scan3A_17 = %scan3A_12 to %scan3A_14 step %scan3A_15  : i32 {
      %mul3A_18 = arith.constant 2 : i32
      %mul3A_19 = arith.muli %mul3A_18, %scan3A_17 : i32
      %add3A_20 = arith.constant 0 : i32
      %add3A_21 = arith.addi %mul3A_19, %add3A_20 : i32
      %mul3A_22 = arith.constant 80 : i32
      %mul3A_23 = arith.muli %add3A_21, %mul3A_22 : i32
      %dma_wait3A = tpu.memref_slice %arg5[%mul3A_23] : memref<640xi32, #tpu.memory_space<vmem>> -> memref<80xi32, #tpu.memory_space<vmem>>
      %dma_wait3A_24 = arith.constant 0 : i32
      %dma_wait3A_25 = arith.constant 0 : i32
      %dma_wait3A_26 = tpu.memref_slice %arg2[%dma_wait3A_24, %dma_wait3A_25] : memref<1000x128xf32, #tpu.memory_space<hbm>> -> memref<1000x128xf32, #tpu.memory_space<hbm>>
      tpu.wait_indirect_dma semaphore(%arg8 : memref<!tpu.dma_semaphore, #tpu.memory_space<semaphore_mem>>) src(%dma_wait3A_26 : memref<1000x128xf32, #tpu.memory_space<hbm>>) dst(%arg6 : memref<80x128xf32, #tpu.memory_space<vmem>>)
      %mul3A_27 = arith.constant 80 : i32
      %mul3A_28 = arith.muli %add3A_21, %mul3A_27 : i32
      %add3A_29 = arith.addi %mul3A_2, %mul3A_28 : i32
      %dma_start3A_30 = arith.constant 0 : i32
      %dma_start3A_31 = tpu.memref_slice %arg4[%add3A_29, %dma_start3A_30] : memref<20480x128xf32, #tpu.memory_space<hbm>> -> memref<80x128xf32, #tpu.memory_space<hbm>>
      %dma_start3A_32 = arith.constant 0 : i32
      %dma_start3A_33 = tpu.memref_slice %arg4[%add3A_29, %dma_start3A_32] : memref<20480x128xf32, #tpu.memory_space<hbm>> -> memref<80x128xf32, #tpu.memory_space<hbm>>
      tpu.enqueue_dma source(%arg6 : memref<80x128xf32, #tpu.memory_space<vmem>>) target(%dma_start3A_33 : memref<80x128xf32, #tpu.memory_space<hbm>>) target_semaphore(%arg10 : memref<!tpu.dma_semaphore, #tpu.memory_space<semaphore_mem>>)
      %mul3A_34 = arith.constant 2 : i32
      %mul3A_35 = arith.muli %mul3A_34, %scan3A_17 : i32
      %add3A_36 = arith.constant 1 : i32
      %add3A_37 = arith.addi %mul3A_35, %add3A_36 : i32
      %mul3A_38 = arith.constant 80 : i32
      %mul3A_39 = arith.muli %add3A_37, %mul3A_38 : i32
      %dma_wait3A_40 = tpu.memref_slice %arg5[%mul3A_39] : memref<640xi32, #tpu.memory_space<vmem>> -> memref<80xi32, #tpu.memory_space<vmem>>
      %dma_wait3A_41 = arith.constant 0 : i32
      %dma_wait3A_42 = arith.constant 0 : i32
      %dma_wait3A_43 = tpu.memref_slice %arg2[%dma_wait3A_41, %dma_wait3A_42] : memref<1000x128xf32, #tpu.memory_space<hbm>> -> memref<1000x128xf32, #tpu.memory_space<hbm>>
      tpu.wait_indirect_dma semaphore(%arg9 : memref<!tpu.dma_semaphore, #tpu.memory_space<semaphore_mem>>) src(%dma_wait3A_43 : memref<1000x128xf32, #tpu.memory_space<hbm>>) dst(%arg7 : memref<80x128xf32, #tpu.memory_space<vmem>>)
      %mul3A_44 = arith.constant 80 : i32
      %mul3A_45 = arith.muli %add3A_37, %mul3A_44 : i32
      %add3A_46 = arith.addi %mul3A_2, %mul3A_45 : i32
      %dma_start3A_47 = arith.constant 0 : i32
      %dma_start3A_48 = tpu.memref_slice %arg4[%add3A_46, %dma_start3A_47] : memref<20480x128xf32, #tpu.memory_space<hbm>> -> memref<80x128xf32, #tpu.memory_space<hbm>>
      %dma_start3A_49 = arith.constant 0 : i32
      %dma_start3A_50 = tpu.memref_slice %arg4[%add3A_46, %dma_start3A_49] : memref<20480x128xf32, #tpu.memory_space<hbm>> -> memref<80x128xf32, #tpu.memory_space<hbm>>
      tpu.enqueue_dma source(%arg7 : memref<80x128xf32, #tpu.memory_space<vmem>>) target(%dma_start3A_50 : memref<80x128xf32, #tpu.memory_space<hbm>>) target_semaphore(%arg11 : memref<!tpu.dma_semaphore, #tpu.memory_space<semaphore_mem>>)
      %mul3A_51 = arith.constant 2 : i32
      %mul3A_52 = arith.muli %mul3A_51, %scan3A_17 : i32
      %add3A_53 = arith.constant 0 : i32
      %add3A_54 = arith.addi %mul3A_52, %add3A_53 : i32
      %mul3A_55 = arith.constant 80 : i32
      %mul3A_56 = arith.muli %add3A_54, %mul3A_55 : i32
      %add3A_57 = arith.addi %mul3A_2, %mul3A_56 : i32
      %dma_wait3A_58 = arith.constant 0 : i32
      %dma_wait3A_59 = tpu.memref_slice %arg4[%add3A_57, %dma_wait3A_58] : memref<20480x128xf32, #tpu.memory_space<hbm>> -> memref<80x128xf32, #tpu.memory_space<hbm>>
      %dma_wait3A_60 = arith.constant 0 : i32
      %dma_wait3A_61 = tpu.memref_slice %arg4[%add3A_57, %dma_wait3A_60] : memref<20480x128xf32, #tpu.memory_space<hbm>> -> memref<80x128xf32, #tpu.memory_space<hbm>>
      tpu.wait_dma2 semaphore(%arg10 : memref<!tpu.dma_semaphore, #tpu.memory_space<semaphore_mem>>) src(%arg6 : memref<80x128xf32, #tpu.memory_space<vmem>>) dst(%dma_wait3A_61 : memref<80x128xf32, #tpu.memory_space<hbm>>)
      %add3A_62 = arith.constant 1 : i32
      %add3A_63 = arith.addi %scan3A_17, %add3A_62 : i32
      %lt3A = arith.constant 4 : i32
      %lt3A_64 = arith.cmpi slt, %add3A_63, %lt3A : i32
      %convert_element_type3A = arith.extui %lt3A_64 : i1 to i32
      %cond3A = arith.constant 0 : i32
      %cond3A_65 = arith.cmpi ne, %convert_element_type3A, %cond3A : i32
      scf.if %cond3A_65 {
        %add3A_84 = arith.constant 2 : i32
        %add3A_85 = arith.addi %add3A_54, %add3A_84 : i32
        %mul3A_86 = arith.constant 80 : i32
        %mul3A_87 = arith.muli %add3A_85, %mul3A_86 : i32
        %dma_start3A_88 = tpu.memref_slice %arg5[%mul3A_87] : memref<640xi32, #tpu.memory_space<vmem>> -> memref<80xi32, #tpu.memory_space<vmem>>
        %dma_start3A_89 = arith.constant 0 : i32
        %dma_start3A_90 = arith.constant 0 : i32
        %dma_start3A_91 = tpu.memref_slice %arg2[%dma_start3A_89, %dma_start3A_90] : memref<1000x128xf32, #tpu.memory_space<hbm>> -> memref<1000x128xf32, #tpu.memory_space<hbm>>
        tpu.enqueue_indirect_dma source(%dma_start3A_91 : memref<1000x128xf32, #tpu.memory_space<hbm>>) target(%arg6 : memref<80x128xf32, #tpu.memory_space<vmem>>) offsets(%dma_start3A_88 : memref<80xi32, #tpu.memory_space<vmem>>) semaphore(%arg8 : memref<!tpu.dma_semaphore, #tpu.memory_space<semaphore_mem>>)
      } else {
      }
      %mul3A_66 = arith.constant 2 : i32
      %mul3A_67 = arith.muli %mul3A_66, %scan3A_17 : i32
      %add3A_68 = arith.constant 1 : i32
      %add3A_69 = arith.addi %mul3A_67, %add3A_68 : i32
      %mul3A_70 = arith.constant 80 : i32
      %mul3A_71 = arith.muli %add3A_69, %mul3A_70 : i32
      %add3A_72 = arith.addi %mul3A_2, %mul3A_71 : i32
      %dma_wait3A_73 = arith.constant 0 : i32
      %dma_wait3A_74 = tpu.memref_slice %arg4[%add3A_72, %dma_wait3A_73] : memref<20480x128xf32, #tpu.memory_space<hbm>> -> memref<80x128xf32, #tpu.memory_space<hbm>>
      %dma_wait3A_75 = arith.constant 0 : i32
      %dma_wait3A_76 = tpu.memref_slice %arg4[%add3A_72, %dma_wait3A_75] : memref<20480x128xf32, #tpu.memory_space<hbm>> -> memref<80x128xf32, #tpu.memory_space<hbm>>
      tpu.wait_dma2 semaphore(%arg11 : memref<!tpu.dma_semaphore, #tpu.memory_space<semaphore_mem>>) src(%arg7 : memref<80x128xf32, #tpu.memory_space<vmem>>) dst(%dma_wait3A_76 : memref<80x128xf32, #tpu.memory_space<hbm>>)
      %add3A_77 = arith.constant 1 : i32
      %add3A_78 = arith.addi %scan3A_17, %add3A_77 : i32
      %lt3A_79 = arith.constant 4 : i32
      %lt3A_80 = arith.cmpi slt, %add3A_78, %lt3A_79 : i32
      %convert_element_type3A_81 = arith.extui %lt3A_80 : i1 to i32
      %cond3A_82 = arith.constant 0 : i32
      %cond3A_83 = arith.cmpi ne, %convert_element_type3A_81, %cond3A_82 : i32
      scf.if %cond3A_83 {
        %add3A_84 = arith.constant 2 : i32
        %add3A_85 = arith.addi %add3A_69, %add3A_84 : i32
        %mul3A_86 = arith.constant 80 : i32
        %mul3A_87 = arith.muli %add3A_85, %mul3A_86 : i32
        %dma_start3A_88 = tpu.memref_slice %arg5[%mul3A_87] : memref<640xi32, #tpu.memory_space<vmem>> -> memref<80xi32, #tpu.memory_space<vmem>>
        %dma_start3A_89 = arith.constant 0 : i32
        %dma_start3A_90 = arith.constant 0 : i32
        %dma_start3A_91 = tpu.memref_slice %arg2[%dma_start3A_89, %dma_start3A_90] : memref<1000x128xf32, #tpu.memory_space<hbm>> -> memref<1000x128xf32, #tpu.memory_space<hbm>>
        tpu.enqueue_indirect_dma source(%dma_start3A_91 : memref<1000x128xf32, #tpu.memory_space<hbm>>) target(%arg7 : memref<80x128xf32, #tpu.memory_space<vmem>>) offsets(%dma_start3A_88 : memref<80xi32, #tpu.memory_space<vmem>>) semaphore(%arg9 : memref<!tpu.dma_semaphore, #tpu.memory_space<semaphore_mem>>)
      } else {
      }
    }
    %scan3A_16 = arith.constant 4 : i32
    return
  }
}

#map = affine_map<(d0, d1) -> (0, 0)>
module attributes {stable_mosaic.version = 14 : i64} {
  func.func @k(%arg0: i32, %arg1: i32, %arg2: memref<1000x128xf32, #tpu.memory_space<hbm>>, %arg3: memref<32x960xi32, #tpu.memory_space<hbm>>, %arg4: memref<30720x128xf32, #tpu.memory_space<hbm>>, %arg5: memref<960xi32, #tpu.memory_space<vmem>>, %arg6: memref<80x128xf32, #tpu.memory_space<vmem>>, %arg7: memref<80x128xf32, #tpu.memory_space<vmem>>, %arg8: memref<!tpu.dma_semaphore, #tpu.memory_space<semaphore_mem>>, %arg9: memref<!tpu.dma_semaphore, #tpu.memory_space<semaphore_mem>>, %arg10: memref<!tpu.dma_semaphore, #tpu.memory_space<semaphore_mem>>, %arg11: memref<!tpu.dma_semaphore, #tpu.memory_space<semaphore_mem>>) attributes {dimension_semantics = [#tpu.dimension_semantics<core_parallel>, #tpu.dimension_semantics<subcore_parallel>], iteration_bounds = array<i64: 2, 16>, scalar_prefetch = 0 : i64, scratch_operands = 7 : i64, tpu.core_type = #tpu.core_type<sc_vector_subcore>, window_params = [{transform_indices = #map}, {transform_indices = #map}, {transform_indices = #map}]} {
    %mul3A = arith.constant 2 : i32
    %mul3A_0 = arith.muli %arg1, %mul3A : i32
    %add3A = arith.addi %mul3A_0, %arg0 : i32
    %mul3A_1 = arith.constant 960 : i32
    %mul3A_2 = arith.muli %add3A, %mul3A_1 : i32
    "tpu.region"() ({
      %run_scoped3A = tpu.sem_alloc : memref<!tpu.dma_semaphore, #tpu.memory_space<semaphore_mem>>
      %dma_start3A_17 = arith.constant 0 : i32
      %dma_start3A_18 = tpu.memref_slice %arg3[%add3A, %dma_start3A_17] : memref<32x960xi32, #tpu.memory_space<hbm>> -> memref<1x960xi32, #tpu.memory_space<hbm>>
      %dma_start3A_19 = tpu.memref_squeeze %dma_start3A_18 : memref<1x960xi32, #tpu.memory_space<hbm>> -> memref<960xi32, #tpu.memory_space<hbm>>
      %dma_start3A_20 = arith.constant 0 : i32
      %dma_start3A_21 = tpu.memref_slice %arg3[%add3A, %dma_start3A_20] : memref<32x960xi32, #tpu.memory_space<hbm>> -> memref<1x960xi32, #tpu.memory_space<hbm>>
      %dma_start3A_22 = tpu.memref_squeeze %dma_start3A_21 : memref<1x960xi32, #tpu.memory_space<hbm>> -> memref<960xi32, #tpu.memory_space<hbm>>
      tpu.enqueue_dma source(%dma_start3A_22 : memref<960xi32, #tpu.memory_space<hbm>>) target(%arg5 : memref<960xi32, #tpu.memory_space<vmem>>) target_semaphore(%run_scoped3A : memref<!tpu.dma_semaphore, #tpu.memory_space<semaphore_mem>>)
      %dma_wait3A = arith.constant 0 : i32
      %dma_wait3A_23 = tpu.memref_slice %arg3[%add3A, %dma_wait3A] : memref<32x960xi32, #tpu.memory_space<hbm>> -> memref<1x960xi32, #tpu.memory_space<hbm>>
      %dma_wait3A_24 = tpu.memref_squeeze %dma_wait3A_23 : memref<1x960xi32, #tpu.memory_space<hbm>> -> memref<960xi32, #tpu.memory_space<hbm>>
      %dma_wait3A_25 = arith.constant 0 : i32
      %dma_wait3A_26 = tpu.memref_slice %arg3[%add3A, %dma_wait3A_25] : memref<32x960xi32, #tpu.memory_space<hbm>> -> memref<1x960xi32, #tpu.memory_space<hbm>>
      %dma_wait3A_27 = tpu.memref_squeeze %dma_wait3A_26 : memref<1x960xi32, #tpu.memory_space<hbm>> -> memref<960xi32, #tpu.memory_space<hbm>>
      tpu.wait_dma2 semaphore(%run_scoped3A : memref<!tpu.dma_semaphore, #tpu.memory_space<semaphore_mem>>) src(%dma_wait3A_27 : memref<960xi32, #tpu.memory_space<hbm>>) dst(%arg5 : memref<960xi32, #tpu.memory_space<vmem>>)
      tpu.yield
    }) : () -> ()
    %dma_start3A = arith.constant 0 : i32
    %dma_start3A_3 = tpu.memref_slice %arg5[%dma_start3A] : memref<960xi32, #tpu.memory_space<vmem>> -> memref<80xi32, #tpu.memory_space<vmem>>
    %dma_start3A_4 = arith.constant 0 : i32
    %dma_start3A_5 = arith.constant 0 : i32
    %dma_start3A_6 = tpu.memref_slice %arg2[%dma_start3A_4, %dma_start3A_5] : memref<1000x128xf32, #tpu.memory_space<hbm>> -> memref<1000x128xf32, #tpu.memory_space<hbm>>
    tpu.enqueue_indirect_dma source(%dma_start3A_6 : memref<1000x128xf32, #tpu.memory_space<hbm>>) target(%arg6 : memref<80x128xf32, #tpu.memory_space<vmem>>) offsets(%dma_start3A_3 : memref<80xi32, #tpu.memory_space<vmem>>) semaphore(%arg8 : memref<!tpu.dma_semaphore, #tpu.memory_space<semaphore_mem>>)
    %dma_start3A_7 = arith.constant 80 : i32
    %dma_start3A_8 = tpu.memref_slice %arg5[%dma_start3A_7] : memref<960xi32, #tpu.memory_space<vmem>> -> memref<80xi32, #tpu.memory_space<vmem>>
    %dma_start3A_9 = arith.constant 0 : i32
    %dma_start3A_10 = arith.constant 0 : i32
    %dma_start3A_11 = tpu.memref_slice %arg2[%dma_start3A_9, %dma_start3A_10] : memref<1000x128xf32, #tpu.memory_space<hbm>> -> memref<1000x128xf32, #tpu.memory_space<hbm>>
    tpu.enqueue_indirect_dma source(%dma_start3A_11 : memref<1000x128xf32, #tpu.memory_space<hbm>>) target(%arg7 : memref<80x128xf32, #tpu.memory_space<vmem>>) offsets(%dma_start3A_8 : memref<80xi32, #tpu.memory_space<vmem>>) semaphore(%arg9 : memref<!tpu.dma_semaphore, #tpu.memory_space<semaphore_mem>>)
    %scan3A = arith.constant 0 : i32
    %scan3A_12 = arith.constant 0 : i32
    %scan3A_13 = arith.constant 6 : i32
    %scan3A_14 = arith.addi %scan3A_12, %scan3A_13 : i32
    %scan3A_15 = arith.constant 1 : i32
    scf.for %scan3A_17 = %scan3A_12 to %scan3A_14 step %scan3A_15  : i32 {
      %mul3A_18 = arith.constant 2 : i32
      %mul3A_19 = arith.muli %mul3A_18, %scan3A_17 : i32
      %add3A_20 = arith.constant 0 : i32
      %add3A_21 = arith.addi %mul3A_19, %add3A_20 : i32
      %mul3A_22 = arith.constant 80 : i32
      %mul3A_23 = arith.muli %add3A_21, %mul3A_22 : i32
      %dma_wait3A = tpu.memref_slice %arg5[%mul3A_23] : memref<960xi32, #tpu.memory_space<vmem>> -> memref<80xi32, #tpu.memory_space<vmem>>
      %dma_wait3A_24 = arith.constant 0 : i32
      %dma_wait3A_25 = arith.constant 0 : i32
      %dma_wait3A_26 = tpu.memref_slice %arg2[%dma_wait3A_24, %dma_wait3A_25] : memref<1000x128xf32, #tpu.memory_space<hbm>> -> memref<1000x128xf32, #tpu.memory_space<hbm>>
      tpu.wait_indirect_dma semaphore(%arg8 : memref<!tpu.dma_semaphore, #tpu.memory_space<semaphore_mem>>) src(%dma_wait3A_26 : memref<1000x128xf32, #tpu.memory_space<hbm>>) dst(%arg6 : memref<80x128xf32, #tpu.memory_space<vmem>>)
      %mul3A_27 = arith.constant 80 : i32
      %mul3A_28 = arith.muli %add3A_21, %mul3A_27 : i32
      %add3A_29 = arith.addi %mul3A_2, %mul3A_28 : i32
      %dma_start3A_30 = arith.constant 0 : i32
      %dma_start3A_31 = tpu.memref_slice %arg4[%add3A_29, %dma_start3A_30] : memref<30720x128xf32, #tpu.memory_space<hbm>> -> memref<80x128xf32, #tpu.memory_space<hbm>>
      %dma_start3A_32 = arith.constant 0 : i32
      %dma_start3A_33 = tpu.memref_slice %arg4[%add3A_29, %dma_start3A_32] : memref<30720x128xf32, #tpu.memory_space<hbm>> -> memref<80x128xf32, #tpu.memory_space<hbm>>
      tpu.enqueue_dma source(%arg6 : memref<80x128xf32, #tpu.memory_space<vmem>>) target(%dma_start3A_33 : memref<80x128xf32, #tpu.memory_space<hbm>>) target_semaphore(%arg10 : memref<!tpu.dma_semaphore, #tpu.memory_space<semaphore_mem>>)
      %mul3A_34 = arith.constant 2 : i32
      %mul3A_35 = arith.muli %mul3A_34, %scan3A_17 : i32
      %add3A_36 = arith.constant 1 : i32
      %add3A_37 = arith.addi %mul3A_35, %add3A_36 : i32
      %mul3A_38 = arith.constant 80 : i32
      %mul3A_39 = arith.muli %add3A_37, %mul3A_38 : i32
      %dma_wait3A_40 = tpu.memref_slice %arg5[%mul3A_39] : memref<960xi32, #tpu.memory_space<vmem>> -> memref<80xi32, #tpu.memory_space<vmem>>
      %dma_wait3A_41 = arith.constant 0 : i32
      %dma_wait3A_42 = arith.constant 0 : i32
      %dma_wait3A_43 = tpu.memref_slice %arg2[%dma_wait3A_41, %dma_wait3A_42] : memref<1000x128xf32, #tpu.memory_space<hbm>> -> memref<1000x128xf32, #tpu.memory_space<hbm>>
      tpu.wait_indirect_dma semaphore(%arg9 : memref<!tpu.dma_semaphore, #tpu.memory_space<semaphore_mem>>) src(%dma_wait3A_43 : memref<1000x128xf32, #tpu.memory_space<hbm>>) dst(%arg7 : memref<80x128xf32, #tpu.memory_space<vmem>>)
      %mul3A_44 = arith.constant 80 : i32
      %mul3A_45 = arith.muli %add3A_37, %mul3A_44 : i32
      %add3A_46 = arith.addi %mul3A_2, %mul3A_45 : i32
      %dma_start3A_47 = arith.constant 0 : i32
      %dma_start3A_48 = tpu.memref_slice %arg4[%add3A_46, %dma_start3A_47] : memref<30720x128xf32, #tpu.memory_space<hbm>> -> memref<80x128xf32, #tpu.memory_space<hbm>>
      %dma_start3A_49 = arith.constant 0 : i32
      %dma_start3A_50 = tpu.memref_slice %arg4[%add3A_46, %dma_start3A_49] : memref<30720x128xf32, #tpu.memory_space<hbm>> -> memref<80x128xf32, #tpu.memory_space<hbm>>
      tpu.enqueue_dma source(%arg7 : memref<80x128xf32, #tpu.memory_space<vmem>>) target(%dma_start3A_50 : memref<80x128xf32, #tpu.memory_space<hbm>>) target_semaphore(%arg11 : memref<!tpu.dma_semaphore, #tpu.memory_space<semaphore_mem>>)
      %mul3A_51 = arith.constant 2 : i32
      %mul3A_52 = arith.muli %mul3A_51, %scan3A_17 : i32
      %add3A_53 = arith.constant 0 : i32
      %add3A_54 = arith.addi %mul3A_52, %add3A_53 : i32
      %mul3A_55 = arith.constant 80 : i32
      %mul3A_56 = arith.muli %add3A_54, %mul3A_55 : i32
      %add3A_57 = arith.addi %mul3A_2, %mul3A_56 : i32
      %dma_wait3A_58 = arith.constant 0 : i32
      %dma_wait3A_59 = tpu.memref_slice %arg4[%add3A_57, %dma_wait3A_58] : memref<30720x128xf32, #tpu.memory_space<hbm>> -> memref<80x128xf32, #tpu.memory_space<hbm>>
      %dma_wait3A_60 = arith.constant 0 : i32
      %dma_wait3A_61 = tpu.memref_slice %arg4[%add3A_57, %dma_wait3A_60] : memref<30720x128xf32, #tpu.memory_space<hbm>> -> memref<80x128xf32, #tpu.memory_space<hbm>>
      tpu.wait_dma2 semaphore(%arg10 : memref<!tpu.dma_semaphore, #tpu.memory_space<semaphore_mem>>) src(%arg6 : memref<80x128xf32, #tpu.memory_space<vmem>>) dst(%dma_wait3A_61 : memref<80x128xf32, #tpu.memory_space<hbm>>)
      %add3A_62 = arith.constant 1 : i32
      %add3A_63 = arith.addi %scan3A_17, %add3A_62 : i32
      %lt3A = arith.constant 6 : i32
      %lt3A_64 = arith.cmpi slt, %add3A_63, %lt3A : i32
      %convert_element_type3A = arith.extui %lt3A_64 : i1 to i32
      %cond3A = arith.constant 0 : i32
      %cond3A_65 = arith.cmpi ne, %convert_element_type3A, %cond3A : i32
      scf.if %cond3A_65 {
        %add3A_84 = arith.constant 2 : i32
        %add3A_85 = arith.addi %add3A_54, %add3A_84 : i32
        %mul3A_86 = arith.constant 80 : i32
        %mul3A_87 = arith.muli %add3A_85, %mul3A_86 : i32
        %dma_start3A_88 = tpu.memref_slice %arg5[%mul3A_87] : memref<960xi32, #tpu.memory_space<vmem>> -> memref<80xi32, #tpu.memory_space<vmem>>
        %dma_start3A_89 = arith.constant 0 : i32
        %dma_start3A_90 = arith.constant 0 : i32
        %dma_start3A_91 = tpu.memref_slice %arg2[%dma_start3A_89, %dma_start3A_90] : memref<1000x128xf32, #tpu.memory_space<hbm>> -> memref<1000x128xf32, #tpu.memory_space<hbm>>
        tpu.enqueue_indirect_dma source(%dma_start3A_91 : memref<1000x128xf32, #tpu.memory_space<hbm>>) target(%arg6 : memref<80x128xf32, #tpu.memory_space<vmem>>) offsets(%dma_start3A_88 : memref<80xi32, #tpu.memory_space<vmem>>) semaphore(%arg8 : memref<!tpu.dma_semaphore, #tpu.memory_space<semaphore_mem>>)
      } else {
      }
      %mul3A_66 = arith.constant 2 : i32
      %mul3A_67 = arith.muli %mul3A_66, %scan3A_17 : i32
      %add3A_68 = arith.constant 1 : i32
      %add3A_69 = arith.addi %mul3A_67, %add3A_68 : i32
      %mul3A_70 = arith.constant 80 : i32
      %mul3A_71 = arith.muli %add3A_69, %mul3A_70 : i32
      %add3A_72 = arith.addi %mul3A_2, %mul3A_71 : i32
      %dma_wait3A_73 = arith.constant 0 : i32
      %dma_wait3A_74 = tpu.memref_slice %arg4[%add3A_72, %dma_wait3A_73] : memref<30720x128xf32, #tpu.memory_space<hbm>> -> memref<80x128xf32, #tpu.memory_space<hbm>>
      %dma_wait3A_75 = arith.constant 0 : i32
      %dma_wait3A_76 = tpu.memref_slice %arg4[%add3A_72, %dma_wait3A_75] : memref<30720x128xf32, #tpu.memory_space<hbm>> -> memref<80x128xf32, #tpu.memory_space<hbm>>
      tpu.wait_dma2 semaphore(%arg11 : memref<!tpu.dma_semaphore, #tpu.memory_space<semaphore_mem>>) src(%arg7 : memref<80x128xf32, #tpu.memory_space<vmem>>) dst(%dma_wait3A_76 : memref<80x128xf32, #tpu.memory_space<hbm>>)
      %add3A_77 = arith.constant 1 : i32
      %add3A_78 = arith.addi %scan3A_17, %add3A_77 : i32
      %lt3A_79 = arith.constant 6 : i32
      %lt3A_80 = arith.cmpi slt, %add3A_78, %lt3A_79 : i32
      %convert_element_type3A_81 = arith.extui %lt3A_80 : i1 to i32
      %cond3A_82 = arith.constant 0 : i32
      %cond3A_83 = arith.cmpi ne, %convert_element_type3A_81, %cond3A_82 : i32
      scf.if %cond3A_83 {
        %add3A_84 = arith.constant 2 : i32
        %add3A_85 = arith.addi %add3A_69, %add3A_84 : i32
        %mul3A_86 = arith.constant 80 : i32
        %mul3A_87 = arith.muli %add3A_85, %mul3A_86 : i32
        %dma_start3A_88 = tpu.memref_slice %arg5[%mul3A_87] : memref<960xi32, #tpu.memory_space<vmem>> -> memref<80xi32, #tpu.memory_space<vmem>>
        %dma_start3A_89 = arith.constant 0 : i32
        %dma_start3A_90 = arith.constant 0 : i32
        %dma_start3A_91 = tpu.memref_slice %arg2[%dma_start3A_89, %dma_start3A_90] : memref<1000x128xf32, #tpu.memory_space<hbm>> -> memref<1000x128xf32, #tpu.memory_space<hbm>>
        tpu.enqueue_indirect_dma source(%dma_start3A_91 : memref<1000x128xf32, #tpu.memory_space<hbm>>) target(%arg7 : memref<80x128xf32, #tpu.memory_space<vmem>>) offsets(%dma_start3A_88 : memref<80xi32, #tpu.memory_space<vmem>>) semaphore(%arg9 : memref<!tpu.dma_semaphore, #tpu.memory_space<semaphore_mem>>)
      } else {
      }
    }
    %scan3A_16 = arith.constant 6 : i32
    return
  }
}

module attributes {stable_mosaic.version = 14 : i64} {
  func.func @_head_body(%arg0: i32, %arg1: memref<1024x128xf32, #tpu.memory_space<vmem>>, %arg2: memref<1000x64xf32, #tpu.memory_space<vmem>>, %arg3: memref<1000x1xf32, #tpu.memory_space<vmem>>, %arg4: memref<1x1000x1024xf32, #tpu.memory_space<vmem>>) attributes {dimension_semantics = [#tpu.dimension_semantics<arbitrary>], iteration_bounds = array<i64: 20>, scalar_prefetch = 0 : i64, scratch_operands = 0 : i64, tpu.core_type = #tpu.core_type<tc>, window_params = [{transform_indices = @transform_0, window_bounds = array<i64: 1024, 128>}, {pipeline_mode = #tpu.pipeline_mode<synchronous>, transform_indices = @transform_1, window_bounds = array<i64: 1000, 64>}, {pipeline_mode = #tpu.pipeline_mode<synchronous>, transform_indices = @transform_2, window_bounds = array<i64: 1000, 1>}, {transform_indices = @transform_3, window_bounds = array<i64: 1, 1000, 1024>}]} {
    %get3A = arith.constant 0 : index
    %get3A_0 = arith.constant 0 : index
    %get3A_1 = vector.load %arg1[%get3A, %get3A_0] : memref<1024x128xf32, #tpu.memory_space<vmem>>, vector<1024x128xf32>
    %slice3A = vector.extract_strided_slice %get3A_1 {offsets = [0, 0], sizes = [1024, 64], strides = [1, 1]} : vector<1024x128xf32> to vector<1024x64xf32>
    %get3A_2 = arith.constant 0 : index
    %get3A_3 = arith.constant 0 : index
    %get3A_4 = vector.load %arg2[%get3A_2, %get3A_3] : memref<1000x64xf32, #tpu.memory_space<vmem>>, vector<1000x64xf32>
    %dot_general3A = arith.constant dense<0.000000e+00> : vector<1000x1024xf32>
    %dot_general3A_5 = tpu.matmul %get3A_4, %slice3A, %dot_general3A {dimension_numbers = #tpu.dot_dimension_numbers<[1], [1], [0], [0], [0, 0, 1, 0], [], []>, transpose_lhs_hint = false} : vector<1000x64xf32>, vector<1024x64xf32>, vector<1000x1024xf32> -> vector<1000x1024xf32>
    %get3A_6 = arith.constant 0 : index
    %get3A_7 = arith.constant 0 : index
    %get3A_8 = vector.load %arg3[%get3A_6, %get3A_7] : memref<1000x1xf32, #tpu.memory_space<vmem>>, vector<1000x1xf32>
    %add3A = vector.broadcast %get3A_8 : vector<1000x1xf32> to vector<1000x1024xf32>
    %add3A_9 = arith.addf %dot_general3A_5, %add3A : vector<1000x1024xf32>
    %broadcast_in_dim3A = vector.shape_cast %add3A_9 : vector<1000x1024xf32> to vector<1x1000x1024xf32>
    %swap3A = arith.constant 0 : index
    %swap3A_10 = arith.constant 0 : index
    %swap3A_11 = arith.constant 0 : index
    %swap3A_12 = vector.load %arg4[%swap3A, %swap3A_10, %swap3A_11] : memref<1x1000x1024xf32, #tpu.memory_space<vmem>>, vector<1x1000x1024xf32>
    tpu.vector_store %arg4[%swap3A, %swap3A_10, %swap3A_11], %broadcast_in_dim3A {strides = array<i32>} : memref<1x1000x1024xf32, #tpu.memory_space<vmem>>, vector<1x1000x1024xf32>,
    return
  }
  func.func @transform_0(%arg0: i32) -> (i32, i32) {
    %c0_i32 = arith.constant 0 : i32
    %c0_i32_0 = arith.constant 0 : i32
    return %arg0, %c0_i32 : i32, i32
  }
  func.func @transform_1(%arg0: i32) -> (i32, i32) {
    %c0_i32 = arith.constant 0 : i32
    %c0_i32_0 = arith.constant 0 : i32
    %c0_i32_1 = arith.constant 0 : i32
    return %c0_i32, %c0_i32_0 : i32, i32
  }
  func.func @transform_2(%arg0: i32) -> (i32, i32) {
    %c0_i32 = arith.constant 0 : i32
    %c0_i32_0 = arith.constant 0 : i32
    %c0_i32_1 = arith.constant 0 : i32
    return %c0_i32, %c0_i32_0 : i32, i32
  }
  func.func @transform_3(%arg0: i32) -> (i32, i32, i32) {
    %c0_i32 = arith.constant 0 : i32
    %c0_i32_0 = arith.constant 0 : i32
    %c0_i32_1 = arith.constant 0 : i32
    return %arg0, %c0_i32, %c0_i32_0 : i32, i32, i32
  }
}

module attributes {stable_mosaic.version = 14 : i64} {
  func.func @_head_body2(%arg0: i32, %arg1: memref<50x1000x1024xf32, #tpu.memory_space<any>>, %arg2: memref<1024x128xf32, #tpu.memory_space<vmem>>, %arg3: memref<1000x64xf32, #tpu.memory_space<vmem>>, %arg4: memref<1000x1xf32, #tpu.memory_space<vmem>>, %arg5: memref<1x1000x1024xf32, #tpu.memory_space<vmem>>) attributes {dimension_semantics = [#tpu.dimension_semantics<arbitrary>], iteration_bounds = array<i64: 30>, scalar_prefetch = 0 : i64, scratch_operands = 0 : i64, tpu.core_type = #tpu.core_type<tc>, window_params = [{}, {transform_indices = @transform_1, window_bounds = array<i64: 1024, 128>}, {pipeline_mode = #tpu.pipeline_mode<synchronous>, transform_indices = @transform_2, window_bounds = array<i64: 1000, 64>}, {pipeline_mode = #tpu.pipeline_mode<synchronous>, transform_indices = @transform_3, window_bounds = array<i64: 1000, 1>}, {transform_indices = @transform_4, window_bounds = array<i64: 1, 1000, 1024>}]} {
    %get3A = arith.constant 0 : index
    %get3A_0 = arith.constant 0 : index
    %get3A_1 = vector.load %arg2[%get3A, %get3A_0] : memref<1024x128xf32, #tpu.memory_space<vmem>>, vector<1024x128xf32>
    %slice3A = vector.extract_strided_slice %get3A_1 {offsets = [0, 0], sizes = [1024, 64], strides = [1, 1]} : vector<1024x128xf32> to vector<1024x64xf32>
    %get3A_2 = arith.constant 0 : index
    %get3A_3 = arith.constant 0 : index
    %get3A_4 = vector.load %arg3[%get3A_2, %get3A_3] : memref<1000x64xf32, #tpu.memory_space<vmem>>, vector<1000x64xf32>
    %dot_general3A = arith.constant dense<0.000000e+00> : vector<1000x1024xf32>
    %dot_general3A_5 = tpu.matmul %get3A_4, %slice3A, %dot_general3A {dimension_numbers = #tpu.dot_dimension_numbers<[1], [1], [0], [0], [0, 0, 1, 0], [], []>, transpose_lhs_hint = false} : vector<1000x64xf32>, vector<1024x64xf32>, vector<1000x1024xf32> -> vector<1000x1024xf32>
    %get3A_6 = arith.constant 0 : index
    %get3A_7 = arith.constant 0 : index
    %get3A_8 = vector.load %arg4[%get3A_6, %get3A_7] : memref<1000x1xf32, #tpu.memory_space<vmem>>, vector<1000x1xf32>
    %add3A = vector.broadcast %get3A_8 : vector<1000x1xf32> to vector<1000x1024xf32>
    %add3A_9 = arith.addf %dot_general3A_5, %add3A : vector<1000x1024xf32>
    %broadcast_in_dim3A = vector.shape_cast %add3A_9 : vector<1000x1024xf32> to vector<1x1000x1024xf32>
    %swap3A = arith.constant 0 : index
    %swap3A_10 = arith.constant 0 : index
    %swap3A_11 = arith.constant 0 : index
    %swap3A_12 = vector.load %arg5[%swap3A, %swap3A_10, %swap3A_11] : memref<1x1000x1024xf32, #tpu.memory_space<vmem>>, vector<1x1000x1024xf32>
    tpu.vector_store %arg5[%swap3A, %swap3A_10, %swap3A_11], %broadcast_in_dim3A {strides = array<i32>} : memref<1x1000x1024xf32, #tpu.memory_space<vmem>>, vector<1x1000x1024xf32>,
    return
  }
  func.func @transform_1(%arg0: i32) -> (i32, i32) {
    %c0_i32 = arith.constant 0 : i32
    %c0_i32_0 = arith.constant 0 : i32
    return %arg0, %c0_i32 : i32, i32
  }
  func.func @transform_2(%arg0: i32) -> (i32, i32) {
    %c0_i32 = arith.constant 0 : i32
    %c0_i32_0 = arith.constant 0 : i32
    %c0_i32_1 = arith.constant 0 : i32
    return %c0_i32, %c0_i32_0 : i32, i32
  }
  func.func @transform_3(%arg0: i32) -> (i32, i32) {
    %c0_i32 = arith.constant 0 : i32
    %c0_i32_0 = arith.constant 0 : i32
    %c0_i32_1 = arith.constant 0 : i32
    return %c0_i32, %c0_i32_0 : i32, i32
  }
  func.func @transform_4(%arg0: i32) -> (i32, i32, i32) {
    %add3A = arith.constant 20 : i32
    %add3A_0 = arith.addi %arg0, %add3A : i32
    %c0_i32 = arith.constant 0 : i32
    %c0_i32_1 = arith.constant 0 : i32
    %c0_i32_2 = arith.constant 0 : i32
    return %add3A_0, %c0_i32, %c0_i32_1 : i32, i32, i32
  }
}

</mosaic_0001>

<sc_bundles>
// kernel: kernel.6.cloned.1.call-start
scs
__scs_entry_jumppad:
0x0: {  	(pc) =	sbr.rel $0x88, $3  }
0x1: {  	(tag) =	ssettag $0x0;
	lr =	simm.s32 $0x1  }
0x2: {  	[smem:$0x3F9D] =	sst lr;
	_ =	strace $0xD0000000  }
0x3: {  	_ = 	snop  }
0x4: {  	_ = 	snop  }
0x5: {  	_ = 	snop  }
0x6: {  	_ = 	snop  }
0x7: {  	_ = 	snop  }
__scs_overlays_trampoline_lowered:
0x8: {  	[smem:$0x3FAC] =	sst s0  }
0x9: {  	[smem:$0x3FAD] =	sst s1  }
0xa: {  	[smem:$0x3FAE] =	sst s2  }
0xb: {  	[smem:$0x3FAF] =	sst s3  }
0xc: {  	[smem:$0x3FB0] =	sst s4  }
0xd: {  	[smem:$0x3FB1] =	sst s5  }
0xe: {  	[smem:$0x3FB2] =	sst s6  }
0xf: {  	[smem:$0x3FB3] =	sst s7  }
0x10: {  	[smem:$0x3FB4] =	sst s8  }
0x11: {  	[smem:$0x3FB5] =	sst s9;
	s0 =	simm.s32 @!p0 $0x0  }
0x12: {  	s1 =	sld [smem:$0x3F9B];
	s0 =	simm.s32 @p0 $0x1  }
0x13: {  	[smem:$0x3FB6] =	sst s0;
	s0 =	simm.s32 @!p1 $0x0  }
0x14: {  	s2 =	sld [smem:$0x3F9A];
	s0 =	simm.s32 @p1 $0x1  }
0x15: {  	[smem:$0x3FB7] =	sst s0;
	s0 =	simm.s32 @!p2 $0x0  }
0x16: {  	s3 =	sld [smem:$0x3FDB];
	s0 =	simm.s32 @p2 $0x1  }
0x17: {  	s4 =	simm.s32 $0x1BF5;
	[smem:$0x3FB9] =	sst s0  }
0x18: {  	s0 =	sld [smem:$0x3F9C];
	_ =	swait.ge [sflag:s4], $0x0  }
0x19: {  	s7 =	sld [smem:$0x3F9D]  }
0x1a: {  	s8 =	sadd.s32 $0xFFFFE003, lr  }
0x1b: {  	s9 =	sadd.s32 $0xFFFFFEF7, lr;
	s5 =	simm.s32 $0xFFFFFFFF;
	p2 =	slt.u32 s8, $0xFFFFF086  }
0x1c: {  	p1 =	slt.u32 s9, $0xF7A;
	s5 =	simm.s32 @!p2 $0x0  }
0x1d: {  	s5 =	simm.s32 @p1 $0x1;
	p0 =	seq.s32 s7, s2  }
0x1e: {  	s7 =	smul.u32 @!p0 $0xF7A, s2;
	p2 =	seq.s32 @!p0 s5, $0x0  }
0x1f: {  	s9 =	smul.u32 $0xF7A, s1;
	s8 =	simm.s32 @!p0 $0x1BF5;
	p2 =	por !p2, p0  }
0x20: {  	[sflag:s8] =	ssyncset.s32 @!p0 $0xFFFFF086;
	s6 =	sadd.s32 @!p0 s3, s7;
	s7 =	simm.s32 @!p0 $0x108  }
0x21: {  	s3 =	sadd.s32 s3, s9;
	s6 =	sadd.s32 @!p0 $0x88, s6;
	s7 =	simm.s32 @p2 $0x1082  }
0x22: {  	[simem:s7], [sflag:s8] =	dma.local @!p0 [hbm:s6], $0xF7A  }
0x23: {  	s9 =	sor.u32 $0xD0000000, s2;
	s6 =	simm.s32 $0x108;
	_ =	swait.ge @!p0 [sflag:s8], $0x0  }
0x24: {  	s3 =	sadd.s32 $0x88, s3;
	s6 =	simm.s32 @!p1 $0x1082;
	[sflag:s4] =	ssyncset.s32 $0xFFFFF086  }
0x25: {  	[simem:s6], [sflag:s4] =	dma.local [hbm:s3], $0xF7A  }
0x26: {  	[smem:$0x3F9D] =	sst s1;
	(tag) =	ssettag s2;
	_ =	strace s9  }
0x27: {  	s1 =	sld [smem:$0x3FAD]  }
0x28: {  	s2 =	sld [smem:$0x3FAE]  }
0x29: {  	s4 =	sld [smem:$0x3FB0]  }
0x2a: {  	p0 =	seq.s32 s5, $0x0;
	s5 =	sld [smem:$0x3FB1]  }
0x2b: {  	s6 =	sld [smem:$0x3FB2]  }
0x2c: {  	s7 =	sld [smem:$0x3FB3]  }
0x2d: {  	s3 =	simm.s32 $0x108;
	s8 =	sld [smem:$0x3FB4]  }
0x2e: {  	s3 =	simm.s32 @!p0 $0x1082;
	s9 =	sld [smem:$0x3FB5]  }
0x2f: {  	lr =	sadd.s32 s0, s3;
	s0 =	sld [smem:$0x3FAC]  }
0x30: {  	s3 =	sld [smem:$0x3FAF]  }
0x31: {  	[smem:$0x3FB8] =	sst s10  }
0x32: {  	s10 =	sld [smem:$0x3FB6];
	_ =	sdelay $0x3  }
0x33: {  	p0 =	seq.s32 s10, $0x1;
	s10 =	sld [smem:$0x3FB8];
	_ =	sdelay $0x3  }
0x34: {  	[smem:$0x3FB8] =	sst s10  }
0x35: {  	s10 =	sld [smem:$0x3FB7];
	_ =	sdelay $0x3  }
0x36: {  	p1 =	seq.s32 s10, $0x1;
	s10 =	sld [smem:$0x3FB8];
	_ =	sdelay $0x3  }
0x37: {  	[smem:$0x3FB8] =	sst s10  }
0x38: {  	s10 =	sld [smem:$0x3FB9]  }
0x39: {  	_ = 	snop;
	(pc) =	sbr.ind lr, $3  }
0x3a: {  	_ = 	snop  }
0x3b: {  	_ = 	snop  }
0x3c: {  	p2 =	seq.s32 s10, $0x1;
	s10 =	sld [smem:$0x3FB8]  }
0x3d: {  	_ =	shalt  }
0x3e: {  	_ =	shalt  }
0x3f: {  	_ =	shalt  }
0x40: {  	_ =	shalt  }
0x41: {  	_ =	shalt  }
0x42: {  	_ =	shalt  }
0x43: {  	_ =	shalt  }
0x44: {  	_ =	shalt  }
0x45: {  	_ =	shalt  }
0x46: {  	_ =	shalt  }
0x47: {  	_ =	shalt  }
0x48: {  	_ =	shalt  }
0x49: {  	_ =	shalt  }
0x4a: {  	_ =	shalt  }
0x4b: {  	_ =	shalt  }
0x4c: {  	_ =	shalt  }
0x4d: {  	_ =	shalt  }
0x4e: {  	_ =	shalt  }
0x4f: {  	_ =	shalt  }
0x50: {  	_ =	shalt  }
0x51: {  	_ =	shalt  }
0x52: {  	_ =	shalt  }
0x53: {  	_ =	shalt  }
0x54: {  	_ =	shalt  }
0x55: {  	_ =	shalt  }
0x56: {  	_ =	shalt  }
0x57: {  	_ =	shalt  }
0x58: {  	_ =	shalt  }
0x59: {  	_ =	shalt  }
0x5a: {  	_ =	shalt  }
0x5b: {  	_ =	shalt  }
0x5c: {  	_ =	shalt  }
0x5d: {  	_ =	shalt  }
0x5e: {  	_ =	shalt  }
0x5f: {  	_ =	shalt  }
0x60: {  	_ =	shalt  }
0x61: {  	_ =	shalt  }
0x62: {  	_ =	shalt  }
0x63: {  	_ =	shalt  }
0x64: {  	_ =	shalt  }
0x65: {  	_ =	shalt  }
0x66: {  	_ =	shalt  }
0x67: {  	_ =	shalt  }
0x68: {  	_ =	shalt  }
0x69: {  	_ =	shalt  }
0x6a: {  	_ =	shalt  }
0x6b: {  	_ =	shalt  }
0x6c: {  	_ =	shalt  }
0x6d: {  	_ =	shalt  }
0x6e: {  	_ =	shalt  }
0x6f: {  	_ =	shalt  }
0x70: {  	_ =	shalt  }
0x71: {  	_ =	shalt  }
0x72: {  	_ =	shalt  }
0x73: {  	_ =	shalt  }
0x74: {  	_ =	shalt  }
0x75: {  	_ =	shalt  }
0x76: {  	_ =	shalt  }
0x77: {  	_ =	shalt  }
0x78: {  	_ =	shalt  }
0x79: {  	_ =	shalt  }
0x7a: {  	_ =	shalt  }
0x7b: {  	_ =	shalt  }
0x7c: {  	_ =	shalt  }
0x7d: {  	_ =	shalt  }
0x7e: {  	_ =	shalt  }
0x7f: {  	_ =	shalt  }
0x80: {  	_ =	shalt  }
0x81: {  	_ =	shalt  }
0x82: {  	_ =	shalt  }
0x83: {  	_ =	shalt  }
0x84: {  	_ =	shalt  }
0x85: {  	_ =	shalt  }
0x86: {  	_ =	shalt  }
0x87: {  	_ =	shalt  }
.Lfunc_end0:
.L_simem_size_0:
called_computation_lowered:
.L_overlay_start_0:
0x88: {  	s2 =	sld [smem:$0x3FD9]  }
0x89: {  	s3 =	sld [smem:$0x3FFE];
	_ =	sdelay $0x1  }
0x8a: {  	s1 =	srdreg.scid  }
0x8b: {  	s0 =	sand.u32 $0x1, s1  }
0x8c: {  	s17 =	sshll.u32 s0, $0xA;
	s2 =	sadd.s32 s3, s2  }
0x8d: {  	s2 =	sadd.s32 s2, s17  }
0x8e: {  	[smem:$0x3FC4] =	sst s2  }
0x8f: {  	_ = 	snop  }
0x90: {  	s2 =	sld [smem:$0x3FD0];
	(tm) =	ssettm $0x1  }
0x91: {  	s18 =	sld [smem:$0x3FFB];
	_ =	sdelay $0x3  }
0x92: {  	_ =	strace s18  }
0x93: {  	s3 =	sld [smem:$0x3FFC];
	_ =	sdelay $0x3  }
0x94: {  	_ =	strace s3  }
0x95: {  	s3 =	sld [smem:$0x3FFD];
	_ =	sdelay $0x3  }
0x96: {  	_ =	strace s3  }
0x97: {  	_ =	strace $0x8FFFFFFF  }
0x98: {  	s19 =	sld [smem:$0x3FDB];
	_ =	sdelay $0x1  }
0x99: {  	s4 =	simm.s32 $_scs_section_size  }
0x9a: {  	s5 =	simm.s32 $_size__tile_overlayer_lowered;
	s6 =	simm.s32 $_tile_overlayer_lowered  }
0x9b: {  	s22 =	simm.s32 $0x1BFF;
	s21 =	sshll.u32 s6, $0x1;
	s3 =	sadd.s32 s4, s19  }
0x9c: {  	s7 =	simm.s32 $0x0;
	s20 =	sshll.u32 s5, $0x1;
	s5 =	sadd.s32 s21, s3  }
0x9d: {  	[timem:s7], [sflag:s22] =	dma.local [hbm:s5], s20  }
0x9e: {  	_ =	swait.ge [sflag:s22], s20  }
0x9f: {  	s4 =	ssub.s32 $0x0, s20;
	[sflag:s22] =	ssyncset.done $0x0  }
0xa0: {  	[sflag:s22] =	ssyncadd.s32 s4;
	_ =	sdelay $0x1  }
0xa1: {  	s23 =	simm.s32 $0x1B8B  }
0xa2: {  	_ =	swait.ge [sflag:s23], $0x1  }
0xa3: {  	[sflag:s23] =	ssyncset.done $0x0  }
0xa4: {  	s25 =	simm.s32 $0x1B8E;
	s24 =	sld [smem:$0x3FFE];
	[sflag:s23] =	ssyncadd.s32 $0xFFFFFFFF  }
0xa5: {  	s26 =	simm.s32 $execute0_lowered;
	[smem:$0x3FD2] =	sst s25  }
0xa6: {  	s5 =	sshll.u32 s26, $0x1;
	_ =	strace $0x80000046;
	[dreg:$0x1] =	wrdreg $0xFFFFFFFF  }
0xa7: {  	s28 =	simm.s32 $_size_execute0_lowered;
	s3 =	sadd.s32 s3, s5;
	[dreg:$0x0] =	wrdreg $0x0  }
0xa8: {  	s5 =	sshll.u32 s28, $0x1;
	[dreg:$0x2] =	wrdreg s3  }
0xa9: {  	[dreg:$0x3] =	wrdreg s5  }
0xaa: {  	[dreg:$0x4] =	wrdreg $0xC0  }
0xab: {  	_ =	task [dreg:s7], $0x5FFFF  }
0xac: {  	[dreg:$0x1] =	wrdreg $0xFFFFFFFF  }
0xad: {  	[dreg:$0x0] =	wrdreg $0x60  }
0xae: {  	[dreg:$0x2] =	wrdreg s24  }
0xaf: {  	[dreg:$0x3] =	wrdreg s2  }
0xb0: {  	[dreg:$0x4] =	wrdreg $0x9  }
0xb1: {  	_ =	task.clear_ibuf [dreg:s7], $0x5FFFF;
	_ =	strace $0x90000046  }
0xb2: {  	s29 =	simm.s32 $0x9;
	_ =	strace $0x80000048  }
0xb3: {  	_ =	swait.ge [sflag:s29], $0x1  }
0xb4: {  	[sflag:s29] =	ssyncadd.s32 $0xFFFFFFFF  }
0xb5: {  	_ =	strace $0x90000048  }
0xb6: {  	_ =	sfence  }
0xb7: {  	s30 =	sld [smem:$0x0];
	_ =	sdelay $0x2  }
0xb8: {  	s31 =	sshll.u32 s1, $0xD;
	s1 =	sshrl.u32 s1, $0x2  }
0xb9: {  	s3 =	sand.u32 $0x4000, s31;
	s1 =	sadd.s32 s1, s30  }
0xba: {  	s0 =	sor.u32 s3, s0;
	s1 =	sshll.u32 s1, $0x11  }
0xbb: {  	s0 =	sor.u32 s1, s0  }
0xbc: {  	s0 =	sadd.s32 $0x8F2B, s0  }
0xbd: {  	[sflag:s0] =	ssyncadd.remote.s32 $0x1  }
0xbe: {  	_ =	sfence.sel $0xFFFF  }
0xbf: {  	[dreg:$0x0] =	wrdreg $0xFFFFFFFF;
	(pc) =	sbr.abs _section_cstart, $3  }
0xc0: {  	[dreg:$0x1] =	wrdreg $0xFFFFFFFF  }
0xc1: {  	_ =	task.clear_ibuf [dreg:s7], $0x2FFFF;
	_ =	strace $0x9FFFFFFF  }
0xc2: {  	(tm) =	ssettm $0x7FFFFFFF  }
0xc3: {  	_ =	shalt  }
tec
execute0_lowered:
.L_overlay_start_1:
0x0: {  	(tag) =	ssettag $0x1  }
0x1: {  	s1 =	srdreg.scid;
	s0 =	stileid.u32  }
0x2: {  	s29 =	sand.u32 $0x1, s1;
	s26 =	sshll.u32 s0, $0x1  }
0x3: {  	s31 =	sshrl.u32 s0, $0x2;
	s12 =	sor.u32 s29, s26  }
0x4: {  	s1 =	smul.u32 $0x1400, s31;
	s2 =	sshll.u32 s12, $0x7  }
0x5: {  	s7 =	rddreg [dreg:$0x0];
	s2 =	sand.u32 $0x380, s2  }
0x6: {  	s13 =	rddreg [dreg:$0x1];
	s4 =	simm.s32 $0x80;
	s3 =	sor.u32 s1, s2  }
0x7: {  	s5 =	simm.s32 $0x400;
	s2 =	simm.s32 $0x0;
	s3 =	sshrl.u32 s3, $0x3  }
0x8: {  	s6 =	simm.s32 $0x5;
	[smem:$0x7FF] =	sst s2;
	s3 =	sadd.s32 s3, s7  }
0x9: {  	s1 =	rddreg [dreg:$0x2];
	_ =	strace $0x80000047;
	s3 =	sadd.s32 $0xC00, s3  }
0xa: {  	[tilespmem:s2], [sflag:$0x5] =	stream.strided.gather [hbm4b:s3+s4], $0x280, s5, s4, $0x38;
	[tilespmem:$0x5280] =	vst v63  }
0xb: {  	_ =	swait.ge [sflag:s6], $0x280  }
0xc: {  	s8 =	simm.s32 $0x50;
	[sflag:s6] =	ssyncset.done $0x0  }
0xd: {  	s9 =	simm.s32 $0x280;
	s7 =	sadd.s32 $0x1600, s7;
	[sflag:s6] =	ssyncadd.s32 $0xFFFFFD80  }
0xe: {  	[tilespmem:s9], [sflag:$0x1] =	stream.indirect.gather [hbm4b:s7+s8], $0x80, s2, s8, $0xb8;
	[tilespmem:$0x5280] =	vst v63  }
0xf: {  	s10 =	simm.s32 $0x2A80;
	s11 =	simm.s32 $0x1  }
0x10: {  	[tilespmem:s10], [sflag:$0x2] =	stream.indirect.gather [hbm4b:s7+s8], $0x80, s8, s8, $0xb8;
	[tilespmem:$0x5280] =	vst v63  }
0x11: {  	s12 =	smul.u32 $0x2800, s12;
	_ =	swait.ge [sflag:s11], $0x2800  }
0x12: {  	[sflag:s11] =	ssyncset.done $0x0  }
0x13: {  	s12 =	sadd.s32 s13, s12;
	s13 =	simm.s32 $0x2;
	[sflag:s11] =	ssyncadd.s32 $0xFFFFD800  }
0x14: {  	[hbm4b:s12+s2] =	stream.linear.scatter [tilespmem:s9], [sflag:$0x3], $0x2800, $0x38;
	[tilespmem:$0x5280] =	vst v63  }
0x15: {  	_ =	swait.ge [sflag:s13], $0x2800  }
0x16: {  	[sflag:s13] =	ssyncset.done $0x0  }
0x17: {  	s15 =	simm.s32 $0x3;
	s14 =	sadd.s32 $0x500, s12;
	[sflag:s13] =	ssyncadd.s32 $0xFFFFD800  }
0x18: {  	[hbm4b:s14+s2] =	stream.linear.scatter [tilespmem:s10], [sflag:$0x4], $0x2800, $0x38;
	[tilespmem:$0x5280] =	vst v63  }
0x19: {  	_ =	swait.ge [sflag:s15], $0x2800  }
0x1a: {  	[sflag:s15] =	ssyncset.done $0x0  }
0x1b: {  	s17 =	simm.s32 $0xA0;
	s16 =	simm.s32 $0x4;
	[sflag:s15] =	ssyncadd.s32 $0xFFFFD800  }
0x1c: {  	[tilespmem:s9], [sflag:$0x1] =	stream.indirect.gather [hbm4b:s7+s8], $0x80, s17, s8, $0xb8;
	[tilespmem:$0x5280] =	vst v63  }
0x1d: {  	_ =	swait.ge [sflag:s16], $0x2800  }
0x1e: {  	[sflag:s16] =	ssyncset.done $0x0  }
0x1f: {  	s18 =	simm.s32 $0xF0;
	[sflag:s16] =	ssyncadd.s32 $0xFFFFD800  }
0x20: {  	[tilespmem:s10], [sflag:$0x2] =	stream.indirect.gather [hbm4b:s7+s8], $0x80, s18, s8, $0xb8;
	[tilespmem:$0x5280] =	vst v63  }
0x21: {  	_ =	swait.ge [sflag:s11], $0x2800  }
0x22: {  	[sflag:s11] =	ssyncset.done $0x0  }
0x23: {  	s19 =	sadd.s32 $0xA00, s12;
	[sflag:s11] =	ssyncadd.s32 $0xFFFFD800  }
0x24: {  	[hbm4b:s19+s2] =	stream.linear.scatter [tilespmem:s9], [sflag:$0x3], $0x2800, $0x38;
	[tilespmem:$0x5280] =	vst v63  }
0x25: {  	_ =	swait.ge [sflag:s13], $0x2800  }
0x26: {  	[sflag:s13] =	ssyncset.done $0x0  }
0x27: {  	s20 =	sadd.s32 $0xF00, s12;
	[sflag:s13] =	ssyncadd.s32 $0xFFFFD800  }
0x28: {  	[hbm4b:s20+s2] =	stream.linear.scatter [tilespmem:s10], [sflag:$0x4], $0x2800, $0x38;
	[tilespmem:$0x5280] =	vst v63  }
0x29: {  	_ =	swait.ge [sflag:s15], $0x2800  }
0x2a: {  	[sflag:s15] =	ssyncset.done $0x0  }
0x2b: {  	s21 =	simm.s32 $0x140;
	[sflag:s15] =	ssyncadd.s32 $0xFFFFD800  }
0x2c: {  	[tilespmem:s9], [sflag:$0x1] =	stream.indirect.gather [hbm4b:s7+s8], $0x80, s21, s8, $0xb8;
	[tilespmem:$0x5280] =	vst v63  }
0x2d: {  	_ =	swait.ge [sflag:s16], $0x2800  }
0x2e: {  	[sflag:s16] =	ssyncset.done $0x0  }
0x2f: {  	s22 =	simm.s32 $0x190;
	[sflag:s16] =	ssyncadd.s32 $0xFFFFD800  }
0x30: {  	[tilespmem:s10], [sflag:$0x2] =	stream.indirect.gather [hbm4b:s7+s8], $0x80, s22, s8, $0xb8;
	[tilespmem:$0x5280] =	vst v63  }
0x31: {  	_ =	swait.ge [sflag:s11], $0x2800  }
0x32: {  	[sflag:s11] =	ssyncset.done $0x0  }
0x33: {  	s23 =	sadd.s32 $0x1400, s12;
	[sflag:s11] =	ssyncadd.s32 $0xFFFFD800  }
0x34: {  	[hbm4b:s23+s2] =	stream.linear.scatter [tilespmem:s9], [sflag:$0x3], $0x2800, $0x38;
	[tilespmem:$0x5280] =	vst v63  }
0x35: {  	_ =	swait.ge [sflag:s13], $0x2800  }
0x36: {  	[sflag:s13] =	ssyncset.done $0x0  }
0x37: {  	s24 =	sadd.s32 $0x1900, s12;
	[sflag:s13] =	ssyncadd.s32 $0xFFFFD800  }
0x38: {  	[hbm4b:s24+s2] =	stream.linear.scatter [tilespmem:s10], [sflag:$0x4], $0x2800, $0x38;
	[tilespmem:$0x5280] =	vst v63  }
0x39: {  	_ =	swait.ge [sflag:s15], $0x2800  }
0x3a: {  	[sflag:s15] =	ssyncset.done $0x0  }
0x3b: {  	s25 =	simm.s32 $0x1E0;
	[sflag:s15] =	ssyncadd.s32 $0xFFFFD800  }
0x3c: {  	[tilespmem:s9], [sflag:$0x1] =	stream.indirect.gather [hbm4b:s7+s8], $0x80, s25, s8, $0xb8;
	[tilespmem:$0x5280] =	vst v63  }
0x3d: {  	_ =	swait.ge [sflag:s16], $0x2800  }
0x3e: {  	[sflag:s16] =	ssyncset.done $0x0  }
0x3f: {  	s26 =	simm.s32 $0x230;
	[sflag:s16] =	ssyncadd.s32 $0xFFFFD800  }
0x40: {  	[tilespmem:s10], [sflag:$0x2] =	stream.indirect.gather [hbm4b:s7+s8], $0x80, s26, s8, $0xb8;
	[tilespmem:$0x5280] =	vst v63  }
0x41: {  	_ =	swait.ge [sflag:s11], $0x2800  }
0x42: {  	s30 =	ssub.s32 $0x2, s29;
	[sflag:s11] =	ssyncset.done $0x0  }
0x43: {  	s31 =	sshrl.u32 s30, $0x1;
	s28 =	sadd.s32 $0x1E00, s12;
	[sflag:s11] =	ssyncadd.s32 $0xFFFFD800  }
0x44: {  	[hbm4b:s28+s2] =	stream.linear.scatter [tilespmem:s9], [sflag:$0x3], $0x2800, $0x38;
	[tilespmem:$0x5280] =	vst v63  }
0x45: {  	s30 =	ssub.s32 s30, s31;
	_ =	swait.ge [sflag:s13], $0x2800  }
0x46: {  	s30 =	smax.u32 s30, $0x1;
	[sflag:s13] =	ssyncset.done $0x0  }
0x47: {  	s29 =	sadd.s32 $0x2300, s12;
	p0 =	sne.s32 s30, $0x1;
	[sflag:s13] =	ssyncadd.s32 $0xFFFFD800  }
0x48: {  	[hbm4b:s29+s2] =	stream.linear.scatter [tilespmem:s10], [sflag:$0x4], $0x2800, $0x38;
	[tilespmem:$0x5280] =	vst v63  }
.Ltmp0:
0x49: {  	_ =	swait.ge [sflag:s15], $0x2800;
	(pc) =	sbr.rel @!p0 .LBB2_2-.Ltmp0, $4  }
0x4a: {  	[sflag:s15] =	ssyncset.done $0x0  }
0x4b: {  	[sflag:s15] =	ssyncadd.s32 $0xFFFFD800  }
0x4c: {  	_ =	swait.ge [sflag:s16], $0x2800  }
0x4d: {  	s30 =	sadd.s32 $0xFFFFFFFF, s30;
	[sflag:s16] =	ssyncset.done $0x0  }
.LBB2_1:
0x4e: {  	p0 =	sne.s32 s30, $0x1;
	s30 =	sadd.s32 $0xFFFFFFFF, s30;
	[sflag:s16] =	ssyncadd.s32 $0xFFFFD800  }
0x4f: {  	[tilespmem:s2], [sflag:$0x5] =	stream.strided.gather [hbm4b:s3+s4], $0x280, s5, s4, $0x38;
	[tilespmem:$0x5280] =	vst v63  }
0x50: {  	_ =	swait.ge [sflag:s6], $0x280  }
0x51: {  	[sflag:s6] =	ssyncset.done $0x0  }
0x52: {  	[sflag:s6] =	ssyncadd.s32 $0xFFFFFD80  }
0x53: {  	[tilespmem:s9], [sflag:$0x1] =	stream.indirect.gather [hbm4b:s7+s8], $0x80, s2, s8, $0xb8;
	[tilespmem:$0x5280] =	vst v63  }
0x54: {  	_ = 	snop  }
0x55: {  	[tilespmem:s10], [sflag:$0x2] =	stream.indirect.gather [hbm4b:s7+s8], $0x80, s8, s8, $0xb8;
	[tilespmem:$0x5280] =	vst v63  }
0x56: {  	_ =	swait.ge [sflag:s11], $0x2800  }
0x57: {  	[sflag:s11] =	ssyncset.done $0x0  }
0x58: {  	[sflag:s11] =	ssyncadd.s32 $0xFFFFD800  }
0x59: {  	[hbm4b:s12+s2] =	stream.linear.scatter [tilespmem:s9], [sflag:$0x3], $0x2800, $0x38;
	[tilespmem:$0x5280] =	vst v63  }
0x5a: {  	_ =	swait.ge [sflag:s13], $0x2800  }
0x5b: {  	[sflag:s13] =	ssyncset.done $0x0  }
0x5c: {  	[sflag:s13] =	ssyncadd.s32 $0xFFFFD800  }
0x5d: {  	[hbm4b:s14+s2] =	stream.linear.scatter [tilespmem:s10], [sflag:$0x4], $0x2800, $0x38;
	[tilespmem:$0x5280] =	vst v63  }
0x5e: {  	_ =	swait.ge [sflag:s15], $0x2800  }
0x5f: {  	[sflag:s15] =	ssyncset.done $0x0  }
0x60: {  	[sflag:s15] =	ssyncadd.s32 $0xFFFFD800  }
0x61: {  	[tilespmem:s9], [sflag:$0x1] =	stream.indirect.gather [hbm4b:s7+s8], $0x80, s17, s8, $0xb8;
	[tilespmem:$0x5280] =	vst v63  }
0x62: {  	_ =	swait.ge [sflag:s16], $0x2800  }
0x63: {  	[sflag:s16] =	ssyncset.done $0x0  }
0x64: {  	[sflag:s16] =	ssyncadd.s32 $0xFFFFD800  }
0x65: {  	[tilespmem:s10], [sflag:$0x2] =	stream.indirect.gather [hbm4b:s7+s8], $0x80, s18, s8, $0xb8;
	[tilespmem:$0x5280] =	vst v63  }
0x66: {  	_ =	swait.ge [sflag:s11], $0x2800  }
0x67: {  	[sflag:s11] =	ssyncset.done $0x0  }
0x68: {  	[sflag:s11] =	ssyncadd.s32 $0xFFFFD800  }
0x69: {  	[hbm4b:s19+s2] =	stream.linear.scatter [tilespmem:s9], [sflag:$0x3], $0x2800, $0x38;
	[tilespmem:$0x5280] =	vst v63  }
0x6a: {  	_ =	swait.ge [sflag:s13], $0x2800  }
0x6b: {  	[sflag:s13] =	ssyncset.done $0x0  }
0x6c: {  	[sflag:s13] =	ssyncadd.s32 $0xFFFFD800  }
0x6d: {  	[hbm4b:s20+s2] =	stream.linear.scatter [tilespmem:s10], [sflag:$0x4], $0x2800, $0x38;
	[tilespmem:$0x5280] =	vst v63  }
0x6e: {  	_ =	swait.ge [sflag:s15], $0x2800  }
0x6f: {  	[sflag:s15] =	ssyncset.done $0x0  }
0x70: {  	[sflag:s15] =	ssyncadd.s32 $0xFFFFD800  }
0x71: {  	[tilespmem:s9], [sflag:$0x1] =	stream.indirect.gather [hbm4b:s7+s8], $0x80, s21, s8, $0xb8;
	[tilespmem:$0x5280] =	vst v63  }
0x72: {  	_ =	swait.ge [sflag:s16], $0x2800  }
0x73: {  	[sflag:s16] =	ssyncset.done $0x0  }
0x74: {  	[sflag:s16] =	ssyncadd.s32 $0xFFFFD800  }
0x75: {  	[tilespmem:s10], [sflag:$0x2] =	stream.indirect.gather [hbm4b:s7+s8], $0x80, s22, s8, $0xb8;
	[tilespmem:$0x5280] =	vst v63  }
0x76: {  	_ =	swait.ge [sflag:s11], $0x2800  }
0x77: {  	[sflag:s11] =	ssyncset.done $0x0  }
0x78: {  	[sflag:s11] =	ssyncadd.s32 $0xFFFFD800  }
0x79: {  	[hbm4b:s23+s2] =	stream.linear.scatter [tilespmem:s9], [sflag:$0x3], $0x2800, $0x38;
	[tilespmem:$0x5280] =	vst v63  }
0x7a: {  	_ =	swait.ge [sflag:s13], $0x2800  }
0x7b: {  	[sflag:s13] =	ssyncset.done $0x0  }
0x7c: {  	[sflag:s13] =	ssyncadd.s32 $0xFFFFD800  }
0x7d: {  	[hbm4b:s24+s2] =	stream.linear.scatter [tilespmem:s10], [sflag:$0x4], $0x2800, $0x38;
	[tilespmem:$0x5280] =	vst v63  }
0x7e: {  	_ =	swait.ge [sflag:s15], $0x2800  }
0x7f: {  	[sflag:s15] =	ssyncset.done $0x0  }
0x80: {  	[sflag:s15] =	ssyncadd.s32 $0xFFFFD800  }
0x81: {  	[tilespmem:s9], [sflag:$0x1] =	stream.indirect.gather [hbm4b:s7+s8], $0x80, s25, s8, $0xb8;
	[tilespmem:$0x5280] =	vst v63  }
0x82: {  	_ =	swait.ge [sflag:s16], $0x2800  }
0x83: {  	[sflag:s16] =	ssyncset.done $0x0  }
0x84: {  	[sflag:s16] =	ssyncadd.s32 $0xFFFFD800  }
0x85: {  	[tilespmem:s10], [sflag:$0x2] =	stream.indirect.gather [hbm4b:s7+s8], $0x80, s26, s8, $0xb8;
	[tilespmem:$0x5280] =	vst v63  }
0x86: {  	_ =	swait.ge [sflag:s11], $0x2800  }
0x87: {  	[sflag:s11] =	ssyncset.done $0x0  }
0x88: {  	[sflag:s11] =	ssyncadd.s32 $0xFFFFD800  }
0x89: {  	[hbm4b:s28+s2] =	stream.linear.scatter [tilespmem:s9], [sflag:$0x3], $0x2800, $0x38;
	[tilespmem:$0x5280] =	vst v63  }
0x8a: {  	_ =	swait.ge [sflag:s13], $0x2800  }
0x8b: {  	[sflag:s13] =	ssyncset.done $0x0  }
0x8c: {  	[sflag:s13] =	ssyncadd.s32 $0xFFFFD800  }
0x8d: {  	[hbm4b:s29+s2] =	stream.linear.scatter [tilespmem:s10], [sflag:$0x4], $0x2800, $0x38;
	[tilespmem:$0x5280] =	vst v63  }
.Ltmp1:
0x8e: {  	_ =	swait.ge [sflag:s15], $0x2800;
	(pc) =	sbr.rel @p0 .LBB2_1-.Ltmp1, $4  }
0x8f: {  	[sflag:s15] =	ssyncset.done $0x0  }
0x90: {  	[sflag:s15] =	ssyncadd.s32 $0xFFFFD800  }
0x91: {  	_ =	swait.ge [sflag:s16], $0x2800  }
0x92: {  	[sflag:s16] =	ssyncset.done $0x0  }
.LBB2_2:
0x93: {  	[sflag:s16] =	ssyncadd.s32 $0xFFFFD800  }
0x94: {  	_ =	sfence.sel $0x180000  }
0x95: {  	[bflag:$0x0] =	sbarrier.arrive $0xFFFF  }
0x96: {  	p0 =	sne.s32 s0, $0x0;
	_ =	strace $0x90000047  }
0x97: {  	s0 =	sadd.s32 @!p0 $0x100000, s1;
	[bflag:$0x2] =	sbarrier.arrive $0xFFFF  }
0x98: {  	[sflag:s0] =	ssyncadd.tile.s32 @!p0 $0x1;
	_ =	shalt  }
.Lfunc_end2:
_tile_overlayer_lowered:
.L_overlay_start_2:
0x99: {  	(tag) =	ssettag $0x2  }
0x9a: {  	s0 =	rddreg [dreg:$0x0];
	s2 =	stileid.u32  }
0x9b: {  	s1 =	rddreg [dreg:$0x1];
	p0 =	sne.s32 s2, $0x0  }
0x9c: {  	s3 =	rddreg [dreg:$0x2];
	[bflag:$0x3] =	sbarrier.arrive $0xFFFF;
	s2 =	simm.s32 @!p0 $0x1C05  }
0x9d: {  	[timem:s3], [sflag:s2] =	dma.local @!p0 [hbm:s0], s1  }
0x9e: {  	s0 =	simm.s32 @!p0 $0x5  }
0x9f: {  	_ =	swait.ge @!p0 [sflag:s0], s1  }
0xa0: {  	s1 =	ssub.s32 @!p0 $0x0, s1;
	[sflag:s0] =	ssyncset.done @!p0 $0x0  }
0xa1: {  	[sflag:s0] =	ssyncadd.s32 @!p0 s1  }
0xa2: {  	[bflag:$0x3] =	sbarrier.arrive $0xFFFF  }
0xa3: {  	_ =	shalt  }

// kernel: kernel.9.cloned.1.call-start
scs
__scs_entry_jumppad:
0x0: {  	(pc) =	sbr.rel $0x88, $3  }
0x1: {  	(tag) =	ssettag $0x0;
	lr =	simm.s32 $0x1  }
0x2: {  	[smem:$0x3F9D] =	sst lr;
	_ =	strace $0xD0000000  }
0x3: {  	_ = 	snop  }
0x4: {  	_ = 	snop  }
0x5: {  	_ = 	snop  }
0x6: {  	_ = 	snop  }
0x7: {  	_ = 	snop  }
__scs_overlays_trampoline_lowered:
0x8: {  	[smem:$0x3FAC] =	sst s0  }
0x9: {  	[smem:$0x3FAD] =	sst s1  }
0xa: {  	[smem:$0x3FAE] =	sst s2  }
0xb: {  	[smem:$0x3FAF] =	sst s3  }
0xc: {  	[smem:$0x3FB0] =	sst s4  }
0xd: {  	[smem:$0x3FB1] =	sst s5  }
0xe: {  	[smem:$0x3FB2] =	sst s6  }
0xf: {  	[smem:$0x3FB3] =	sst s7  }
0x10: {  	[smem:$0x3FB4] =	sst s8  }
0x11: {  	[smem:$0x3FB5] =	sst s9;
	s0 =	simm.s32 @!p0 $0x0  }
0x12: {  	s1 =	sld [smem:$0x3F9B];
	s0 =	simm.s32 @p0 $0x1  }
0x13: {  	[smem:$0x3FB6] =	sst s0;
	s0 =	simm.s32 @!p1 $0x0  }
0x14: {  	s2 =	sld [smem:$0x3F9A];
	s0 =	simm.s32 @p1 $0x1  }
0x15: {  	[smem:$0x3FB7] =	sst s0;
	s0 =	simm.s32 @!p2 $0x0  }
0x16: {  	s3 =	sld [smem:$0x3FDB];
	s0 =	simm.s32 @p2 $0x1  }
0x17: {  	s4 =	simm.s32 $0x1BF5;
	[smem:$0x3FB9] =	sst s0  }
0x18: {  	s0 =	sld [smem:$0x3F9C];
	_ =	swait.ge [sflag:s4], $0x0  }
0x19: {  	s7 =	sld [smem:$0x3F9D]  }
0x1a: {  	s8 =	sadd.s32 $0xFFFFE003, lr  }
0x1b: {  	s9 =	sadd.s32 $0xFFFFFEF7, lr;
	s5 =	simm.s32 $0xFFFFFFFF;
	p2 =	slt.u32 s8, $0xFFFFF086  }
0x1c: {  	p1 =	slt.u32 s9, $0xF7A;
	s5 =	simm.s32 @!p2 $0x0  }
0x1d: {  	s5 =	simm.s32 @p1 $0x1;
	p0 =	seq.s32 s7, s2  }
0x1e: {  	s7 =	smul.u32 @!p0 $0xF7A, s2;
	p2 =	seq.s32 @!p0 s5, $0x0  }
0x1f: {  	s9 =	smul.u32 $0xF7A, s1;
	s8 =	simm.s32 @!p0 $0x1BF5;
	p2 =	por !p2, p0  }
0x20: {  	[sflag:s8] =	ssyncset.s32 @!p0 $0xFFFFF086;
	s6 =	sadd.s32 @!p0 s3, s7;
	s7 =	simm.s32 @!p0 $0x108  }
0x21: {  	s3 =	sadd.s32 s3, s9;
	s6 =	sadd.s32 @!p0 $0x88, s6;
	s7 =	simm.s32 @p2 $0x1082  }
0x22: {  	[simem:s7], [sflag:s8] =	dma.local @!p0 [hbm:s6], $0xF7A  }
0x23: {  	s9 =	sor.u32 $0xD0000000, s2;
	s6 =	simm.s32 $0x108;
	_ =	swait.ge @!p0 [sflag:s8], $0x0  }
0x24: {  	s3 =	sadd.s32 $0x88, s3;
	s6 =	simm.s32 @!p1 $0x1082;
	[sflag:s4] =	ssyncset.s32 $0xFFFFF086  }
0x25: {  	[simem:s6], [sflag:s4] =	dma.local [hbm:s3], $0xF7A  }
0x26: {  	[smem:$0x3F9D] =	sst s1;
	(tag) =	ssettag s2;
	_ =	strace s9  }
0x27: {  	s1 =	sld [smem:$0x3FAD]  }
0x28: {  	s2 =	sld [smem:$0x3FAE]  }
0x29: {  	s4 =	sld [smem:$0x3FB0]  }
0x2a: {  	p0 =	seq.s32 s5, $0x0;
	s5 =	sld [smem:$0x3FB1]  }
0x2b: {  	s6 =	sld [smem:$0x3FB2]  }
0x2c: {  	s7 =	sld [smem:$0x3FB3]  }
0x2d: {  	s3 =	simm.s32 $0x108;
	s8 =	sld [smem:$0x3FB4]  }
0x2e: {  	s3 =	simm.s32 @!p0 $0x1082;
	s9 =	sld [smem:$0x3FB5]  }
0x2f: {  	lr =	sadd.s32 s0, s3;
	s0 =	sld [smem:$0x3FAC]  }
0x30: {  	s3 =	sld [smem:$0x3FAF]  }
0x31: {  	[smem:$0x3FB8] =	sst s10  }
0x32: {  	s10 =	sld [smem:$0x3FB6];
	_ =	sdelay $0x3  }
0x33: {  	p0 =	seq.s32 s10, $0x1;
	s10 =	sld [smem:$0x3FB8];
	_ =	sdelay $0x3  }
0x34: {  	[smem:$0x3FB8] =	sst s10  }
0x35: {  	s10 =	sld [smem:$0x3FB7];
	_ =	sdelay $0x3  }
0x36: {  	p1 =	seq.s32 s10, $0x1;
	s10 =	sld [smem:$0x3FB8];
	_ =	sdelay $0x3  }
0x37: {  	[smem:$0x3FB8] =	sst s10  }
0x38: {  	s10 =	sld [smem:$0x3FB9]  }
0x39: {  	_ = 	snop;
	(pc) =	sbr.ind lr, $3  }
0x3a: {  	_ = 	snop  }
0x3b: {  	_ = 	snop  }
0x3c: {  	p2 =	seq.s32 s10, $0x1;
	s10 =	sld [smem:$0x3FB8]  }
0x3d: {  	_ =	shalt  }
0x3e: {  	_ =	shalt  }
0x3f: {  	_ =	shalt  }
0x40: {  	_ =	shalt  }
0x41: {  	_ =	shalt  }
0x42: {  	_ =	shalt  }
0x43: {  	_ =	shalt  }
0x44: {  	_ =	shalt  }
0x45: {  	_ =	shalt  }
0x46: {  	_ =	shalt  }
0x47: {  	_ =	shalt  }
0x48: {  	_ =	shalt  }
0x49: {  	_ =	shalt  }
0x4a: {  	_ =	shalt  }
0x4b: {  	_ =	shalt  }
0x4c: {  	_ =	shalt  }
0x4d: {  	_ =	shalt  }
0x4e: {  	_ =	shalt  }
0x4f: {  	_ =	shalt  }
0x50: {  	_ =	shalt  }
0x51: {  	_ =	shalt  }
0x52: {  	_ =	shalt  }
0x53: {  	_ =	shalt  }
0x54: {  	_ =	shalt  }
0x55: {  	_ =	shalt  }
0x56: {  	_ =	shalt  }
0x57: {  	_ =	shalt  }
0x58: {  	_ =	shalt  }
0x59: {  	_ =	shalt  }
0x5a: {  	_ =	shalt  }
0x5b: {  	_ =	shalt  }
0x5c: {  	_ =	shalt  }
0x5d: {  	_ =	shalt  }
0x5e: {  	_ =	shalt  }
0x5f: {  	_ =	shalt  }
0x60: {  	_ =	shalt  }
0x61: {  	_ =	shalt  }
0x62: {  	_ =	shalt  }
0x63: {  	_ =	shalt  }
0x64: {  	_ =	shalt  }
0x65: {  	_ =	shalt  }
0x66: {  	_ =	shalt  }
0x67: {  	_ =	shalt  }
0x68: {  	_ =	shalt  }
0x69: {  	_ =	shalt  }
0x6a: {  	_ =	shalt  }
0x6b: {  	_ =	shalt  }
0x6c: {  	_ =	shalt  }
0x6d: {  	_ =	shalt  }
0x6e: {  	_ =	shalt  }
0x6f: {  	_ =	shalt  }
0x70: {  	_ =	shalt  }
0x71: {  	_ =	shalt  }
0x72: {  	_ =	shalt  }
0x73: {  	_ =	shalt  }
0x74: {  	_ =	shalt  }
0x75: {  	_ =	shalt  }
0x76: {  	_ =	shalt  }
0x77: {  	_ =	shalt  }
0x78: {  	_ =	shalt  }
0x79: {  	_ =	shalt  }
0x7a: {  	_ =	shalt  }
0x7b: {  	_ =	shalt  }
0x7c: {  	_ =	shalt  }
0x7d: {  	_ =	shalt  }
0x7e: {  	_ =	shalt  }
0x7f: {  	_ =	shalt  }
0x80: {  	_ =	shalt  }
0x81: {  	_ =	shalt  }
0x82: {  	_ =	shalt  }
0x83: {  	_ =	shalt  }
0x84: {  	_ =	shalt  }
0x85: {  	_ =	shalt  }
0x86: {  	_ =	shalt  }
0x87: {  	_ =	shalt  }
.Lfunc_end0:
.L_simem_size_0:
called_computation.1_lowered:
.L_overlay_start_0:
0x88: {  	s2 =	sld [smem:$0x3FD9]  }
0x89: {  	s3 =	sld [smem:$0x3FFE];
	_ =	sdelay $0x1  }
0x8a: {  	s1 =	srdreg.scid  }
0x8b: {  	s0 =	sand.u32 $0x1, s1  }
0x8c: {  	s17 =	sshll.u32 s0, $0xA;
	s2 =	sadd.s32 s3, s2  }
0x8d: {  	s2 =	sadd.s32 s2, s17  }
0x8e: {  	[smem:$0x3FC4] =	sst s2  }
0x8f: {  	_ = 	snop  }
0x90: {  	(tm) =	ssettm $0x1  }
0x91: {  	s18 =	sld [smem:$0x3FFB];
	_ =	sdelay $0x3  }
0x92: {  	_ =	strace s18  }
0x93: {  	s2 =	sld [smem:$0x3FFC];
	_ =	sdelay $0x3  }
0x94: {  	_ =	strace s2  }
0x95: {  	s2 =	sld [smem:$0x3FFD];
	_ =	sdelay $0x3  }
0x96: {  	_ =	strace s2  }
0x97: {  	_ =	strace $0x8FFFFFFF  }
0x98: {  	s19 =	sld [smem:$0x3FDB];
	_ =	sdelay $0x1  }
0x99: {  	s20 =	simm.s32 $_scs_section_size  }
0x9a: {  	s4 =	simm.s32 $_size__tile_overlayer_lowered;
	s5 =	simm.s32 $_tile_overlayer_lowered  }
0x9b: {  	s6 =	simm.s32 $0x1BFF;
	s21 =	sshll.u32 s5, $0x1;
	s3 =	sadd.s32 s20, s19  }
0x9c: {  	s22 =	simm.s32 $0x0;
	s4 =	sshll.u32 s4, $0x1;
	s5 =	sadd.s32 s21, s3  }
0x9d: {  	[timem:s22], [sflag:s6] =	dma.local [hbm:s5], s4  }
0x9e: {  	_ =	swait.ge [sflag:s6], s4  }
0x9f: {  	s4 =	ssub.s32 $0x0, s4;
	[sflag:s6] =	ssyncset.done $0x0  }
0xa0: {  	[sflag:s6] =	ssyncadd.s32 s4;
	_ =	sdelay $0x1  }
0xa1: {  	s23 =	simm.s32 $0x1B8B  }
0xa2: {  	_ =	swait.ge [sflag:s23], $0x1  }
0xa3: {  	[sflag:s23] =	ssyncset.done $0x0  }
0xa4: {  	[sflag:s23] =	ssyncadd.s32 $0xFFFFFFFF  }
0xa5: {  	s4 =	sld [smem:$0x0]  }
0xa6: {  	s5 =	sand.u32 $0xFFFFFFFE, s1  }
0xa7: {  	p0 =	sne.s32 s1, s5  }
0xa8: {  	s5 =	sshll.u32 @p0 s5, $0xE  }
0xa9: {  	s5 =	sadd.s32 @p0 $0x11B8D, s5;
	s6 =	sshll.u32 @p0 s4, $0x11  }
0xaa: {  	s5 =	sor.u32 @p0 s6, s5  }
0xab: {  	[sflag:s5] =	ssyncadd.remote.s32 @p0 $0x1;
	_ =	sdelay $0x1  }
0xac: {  	s5 =	simm.s32 @p0 $0x1B8D  }
0xad: {  	_ =	swait.eq @p0 [sflag:s5], $0x1  }
0xae: {  	[sflag:s5] =	ssyncadd.s32 @p0 $0xFFFFFFFF  }
0xaf: {  	s6 =	sshll.u32 @!p0 s1, $0xE  }
0xb0: {  	s6 =	sor.u32 @!p0 $0x4000, s6;
	s5 =	simm.s32 @!p0 $0x1B8D  }
0xb1: {  	s4 =	sshll.u32 @!p0 s4, $0x11;
	s6 =	sadd.s32 @!p0 $0x11B8D, s6;
	_ =	swait.eq @!p0 [sflag:s5], $0x1  }
0xb2: {  	s4 =	sor.u32 @!p0 s4, s6;
	[sflag:s5] =	ssyncadd.s32 @!p0 $0xFFFFFFFF  }
0xb3: {  	s25 =	simm.s32 $0x1B8E;
	s24 =	sld [smem:$0x3FFE];
	[sflag:s4] =	ssyncadd.remote.s32 @!p0 $0x1  }
0xb4: {  	s26 =	simm.s32 $execute0_lowered;
	[smem:$0x3FD2] =	sst s25  }
0xb5: {  	s5 =	sshll.u32 s26, $0x1;
	_ =	strace $0x80000049;
	[dreg:$0x1] =	wrdreg $0xFFFFFFFF  }
0xb6: {  	s28 =	simm.s32 $_size_execute0_lowered;
	s3 =	sadd.s32 s3, s5;
	[dreg:$0x0] =	wrdreg $0x0  }
0xb7: {  	s5 =	sshll.u32 s28, $0x1;
	[dreg:$0x2] =	wrdreg s3  }
0xb8: {  	[dreg:$0x3] =	wrdreg s5  }
0xb9: {  	[dreg:$0x4] =	wrdreg $0xC0  }
0xba: {  	_ =	task [dreg:s22], $0x5FFFF  }
0xbb: {  	[dreg:$0x1] =	wrdreg $0xFFFFFFFF  }
0xbc: {  	[dreg:$0x0] =	wrdreg $0x60  }
0xbd: {  	[dreg:$0x2] =	wrdreg s24  }
0xbe: {  	[dreg:$0x3] =	wrdreg $0xA  }
0xbf: {  	_ =	task.clear_ibuf [dreg:s22], $0x4FFFF;
	_ =	strace $0x90000049  }
0xc0: {  	s29 =	simm.s32 $0xA;
	_ =	strace $0x8000004B  }
0xc1: {  	_ =	swait.ge [sflag:s29], $0x1  }
0xc2: {  	[sflag:s29] =	ssyncadd.s32 $0xFFFFFFFF  }
0xc3: {  	_ =	strace $0x9000004B  }
0xc4: {  	_ =	sfence  }
0xc5: {  	s30 =	sld [smem:$0x0];
	_ =	sdelay $0x2  }
0xc6: {  	s31 =	sshll.u32 s1, $0xD;
	s1 =	sshrl.u32 s1, $0x2  }
0xc7: {  	s4 =	sand.u32 $0x4000, s31;
	s1 =	sadd.s32 s1, s30  }
0xc8: {  	s0 =	sor.u32 s4, s0;
	s1 =	sshll.u32 s1, $0x11  }
0xc9: {  	s0 =	sor.u32 s1, s0  }
0xca: {  	s0 =	sadd.s32 $0x8F2B, s0  }
0xcb: {  	[sflag:s0] =	ssyncadd.remote.s32 $0x1  }
0xcc: {  	_ =	sfence.sel $0xFFFF  }
0xcd: {  	[dreg:$0x0] =	wrdreg $0xFFFFFFFF;
	(pc) =	sbr.abs _section_cstart, $3  }
0xce: {  	[dreg:$0x1] =	wrdreg $0xFFFFFFFF  }
0xcf: {  	_ =	task.clear_ibuf [dreg:s22], $0x2FFFF;
	_ =	strace $0x9FFFFFFF  }
0xd0: {  	(tm) =	ssettm $0x7FFFFFFF  }
0xd1: {  	_ =	shalt  }
tec
execute0_lowered:
.L_overlay_start_1:
0x0: {  	(tag) =	ssettag $0x1  }
0x1: {  	s0 =	stileid.u32;
	s1 =	srdreg.scid  }
0x2: {  	s1 =	sand.u32 $0x1, s1;
	s2 =	sshll.u32 s0, $0x1  }
0x3: {  	s3 =	sshll.u32 s0, $0x8;
	s4 =	sor.u32 s1, s2  }
0x4: {  	s6 =	rddreg [dreg:$0x0];
	s3 =	sand.u32 $0xC00, s3;
	s5 =	sshll.u32 s4, $0x4  }
0x5: {  	s3 =	sadd.s32 s3, s6;
	s4 =	smul.u32 $0x3C00, s4;
	s5 =	sand.u32 $0x70, s5  }
0x6: {  	s2 =	simm.s32 $0x0;
	s3 =	sadd.s32 s5, s3  }
0x7: {  	[smem:$0x7FF] =	sst s2;
	s31 =	sadd.s32 s4, s6;
	s3 =	sadd.s32 $0x5600, s3  }
0x8: {  	_ =	strace $0x8000004A;
	s22 =	sadd.s32 $0x6600, s31;
	[dreg:$0x2] =	wrdreg s3  }
0x9: {  	s23 =	sadd.s32 $0x6B00, s31;
	[dreg:$0x3] =	wrdreg s22  }
0xa: {  	s24 =	sadd.s32 $0x7000, s31;
	[dreg:$0x4] =	wrdreg s23  }
0xb: {  	s25 =	sadd.s32 $0x7500, s31;
	[dreg:$0x5] =	wrdreg s24  }
0xc: {  	s4 =	simm.s32 $0x400;
	[dreg:$0x6] =	wrdreg s25  }
0xd: {  	s5 =	simm.s32 $0x5;
	s3 =	simm.s32 $0x80;
	s7 =	rddreg [dreg:$0x2]  }
0xe: {  	[tilespmem:s2], [sflag:$0x5] =	stream.strided.gather [hbm4b:s7+s3], $0x400, s4, s3, $0x38;
	[tilespmem:$0x5400] =	vst v63  }
0xf: {  	_ =	swait.ge [sflag:s5], $0x400  }
0x10: {  	[sflag:s5] =	ssyncset.done $0x0  }
0x11: {  	s6 =	sadd.s32 $0x1600, s6;
	s7 =	simm.s32 $0x50;
	[sflag:s5] =	ssyncadd.s32 $0xFFFFFC00  }
0x12: {  	[tilespmem:s4], [sflag:$0x1] =	stream.indirect.gather [hbm4b:s6+s7], $0x80, s2, s7, $0xb8;
	[tilespmem:$0x5400] =	vst v63  }
0x13: {  	s8 =	simm.s32 $0x2C00;
	s9 =	simm.s32 $0x1  }
0x14: {  	[tilespmem:s8], [sflag:$0x2] =	stream.indirect.gather [hbm4b:s6+s7], $0x80, s7, s7, $0xb8;
	[tilespmem:$0x5400] =	vst v63  }
0x15: {  	_ =	swait.ge [sflag:s9], $0x2800  }
0x16: {  	[sflag:s9] =	ssyncset.done $0x0  }
0x17: {  	s10 =	simm.s32 $0x2;
	s11 =	rddreg [dreg:$0x3];
	[sflag:s9] =	ssyncadd.s32 $0xFFFFD800  }
0x18: {  	[hbm4b:s11+s2] =	stream.linear.scatter [tilespmem:s4], [sflag:$0x3], $0x2800, $0x38;
	[tilespmem:$0x5400] =	vst v63  }
0x19: {  	_ =	swait.ge [sflag:s10], $0x2800  }
0x1a: {  	[sflag:s10] =	ssyncset.done $0x0  }
0x1b: {  	s11 =	simm.s32 $0x3;
	s12 =	rddreg [dreg:$0x4];
	[sflag:s10] =	ssyncadd.s32 $0xFFFFD800  }
0x1c: {  	[hbm4b:s12+s2] =	stream.linear.scatter [tilespmem:s8], [sflag:$0x4], $0x2800, $0x38;
	[tilespmem:$0x5400] =	vst v63  }
0x1d: {  	_ =	swait.ge [sflag:s11], $0x2800  }
0x1e: {  	[sflag:s11] =	ssyncset.done $0x0  }
0x1f: {  	s13 =	simm.s32 $0xA0;
	s12 =	simm.s32 $0x4;
	[sflag:s11] =	ssyncadd.s32 $0xFFFFD800  }
0x20: {  	[tilespmem:s4], [sflag:$0x1] =	stream.indirect.gather [hbm4b:s6+s7], $0x80, s13, s7, $0xb8;
	[tilespmem:$0x5400] =	vst v63  }
0x21: {  	_ =	swait.ge [sflag:s12], $0x2800  }
0x22: {  	[sflag:s12] =	ssyncset.done $0x0  }
0x23: {  	s14 =	simm.s32 $0xF0;
	[sflag:s12] =	ssyncadd.s32 $0xFFFFD800  }
0x24: {  	[tilespmem:s8], [sflag:$0x2] =	stream.indirect.gather [hbm4b:s6+s7], $0x80, s14, s7, $0xb8;
	[tilespmem:$0x5400] =	vst v63  }
0x25: {  	_ =	swait.ge [sflag:s9], $0x2800  }
0x26: {  	[sflag:s9] =	ssyncset.done $0x0  }
0x27: {  	s15 =	rddreg [dreg:$0x5];
	[sflag:s9] =	ssyncadd.s32 $0xFFFFD800  }
0x28: {  	[hbm4b:s15+s2] =	stream.linear.scatter [tilespmem:s4], [sflag:$0x3], $0x2800, $0x38;
	[tilespmem:$0x5400] =	vst v63  }
0x29: {  	_ =	swait.ge [sflag:s10], $0x2800  }
0x2a: {  	[sflag:s10] =	ssyncset.done $0x0  }
0x2b: {  	s26 =	rddreg [dreg:$0x6];
	[sflag:s10] =	ssyncadd.s32 $0xFFFFD800  }
0x2c: {  	[hbm4b:s26+s2] =	stream.linear.scatter [tilespmem:s8], [sflag:$0x4], $0x2800, $0x38;
	[tilespmem:$0x5400] =	vst v63  }
0x2d: {  	_ =	swait.ge [sflag:s11], $0x2800  }
0x2e: {  	[sflag:s11] =	ssyncset.done $0x0  }
0x2f: {  	s15 =	simm.s32 $0x140;
	[sflag:s11] =	ssyncadd.s32 $0xFFFFD800  }
0x30: {  	[tilespmem:s4], [sflag:$0x1] =	stream.indirect.gather [hbm4b:s6+s7], $0x80, s15, s7, $0xb8;
	[tilespmem:$0x5400] =	vst v63  }
0x31: {  	_ =	swait.ge [sflag:s12], $0x2800  }
0x32: {  	[sflag:s12] =	ssyncset.done $0x0  }
0x33: {  	s16 =	simm.s32 $0x190;
	[sflag:s12] =	ssyncadd.s32 $0xFFFFD800  }
0x34: {  	[tilespmem:s8], [sflag:$0x2] =	stream.indirect.gather [hbm4b:s6+s7], $0x80, s16, s7, $0xb8;
	[tilespmem:$0x5400] =	vst v63  }
0x35: {  	_ =	swait.ge [sflag:s9], $0x2800  }
0x36: {  	[sflag:s9] =	ssyncset.done $0x0  }
0x37: {  	s17 =	sadd.s32 $0x7A00, s31;
	[sflag:s9] =	ssyncadd.s32 $0xFFFFD800  }
0x38: {  	[hbm4b:s17+s2] =	stream.linear.scatter [tilespmem:s4], [sflag:$0x3], $0x2800, $0x38;
	[tilespmem:$0x5400] =	vst v63  }
0x39: {  	_ =	swait.ge [sflag:s10], $0x2800  }
0x3a: {  	[sflag:s10] =	ssyncset.done $0x0  }
0x3b: {  	s18 =	sadd.s32 $0x7F00, s31;
	[sflag:s10] =	ssyncadd.s32 $0xFFFFD800  }
0x3c: {  	[hbm4b:s18+s2] =	stream.linear.scatter [tilespmem:s8], [sflag:$0x4], $0x2800, $0x38;
	[tilespmem:$0x5400] =	vst v63  }
0x3d: {  	_ =	swait.ge [sflag:s11], $0x2800  }
0x3e: {  	[sflag:s11] =	ssyncset.done $0x0  }
0x3f: {  	s19 =	simm.s32 $0x1E0;
	[sflag:s11] =	ssyncadd.s32 $0xFFFFD800  }
0x40: {  	[tilespmem:s4], [sflag:$0x1] =	stream.indirect.gather [hbm4b:s6+s7], $0x80, s19, s7, $0xb8;
	[tilespmem:$0x5400] =	vst v63  }
0x41: {  	_ =	swait.ge [sflag:s12], $0x2800  }
0x42: {  	[sflag:s12] =	ssyncset.done $0x0  }
0x43: {  	s20 =	simm.s32 $0x230;
	[sflag:s12] =	ssyncadd.s32 $0xFFFFD800  }
0x44: {  	[tilespmem:s8], [sflag:$0x2] =	stream.indirect.gather [hbm4b:s6+s7], $0x80, s20, s7, $0xb8;
	[tilespmem:$0x5400] =	vst v63  }
0x45: {  	_ =	swait.ge [sflag:s9], $0x2800  }
0x46: {  	[sflag:s9] =	ssyncset.done $0x0  }
0x47: {  	s21 =	sadd.s32 $0x8400, s31;
	[sflag:s9] =	ssyncadd.s32 $0xFFFFD800  }
0x48: {  	[hbm4b:s21+s2] =	stream.linear.scatter [tilespmem:s4], [sflag:$0x3], $0x2800, $0x38;
	[tilespmem:$0x5400] =	vst v63  }
0x49: {  	_ =	swait.ge [sflag:s10], $0x2800  }
0x4a: {  	[sflag:s10] =	ssyncset.done $0x0  }
0x4b: {  	s22 =	sadd.s32 $0x8900, s31;
	[sflag:s10] =	ssyncadd.s32 $0xFFFFD800  }
0x4c: {  	[hbm4b:s22+s2] =	stream.linear.scatter [tilespmem:s8], [sflag:$0x4], $0x2800, $0x38;
	[tilespmem:$0x5400] =	vst v63  }
0x4d: {  	_ =	swait.ge [sflag:s11], $0x2800  }
0x4e: {  	[sflag:s11] =	ssyncset.done $0x0  }
0x4f: {  	s23 =	simm.s32 $0x280;
	[sflag:s11] =	ssyncadd.s32 $0xFFFFD800  }
0x50: {  	[tilespmem:s4], [sflag:$0x1] =	stream.indirect.gather [hbm4b:s6+s7], $0x80, s23, s7, $0xb8;
	[tilespmem:$0x5400] =	vst v63  }
0x51: {  	_ =	swait.ge [sflag:s12], $0x2800  }
0x52: {  	[sflag:s12] =	ssyncset.done $0x0  }
0x53: {  	s24 =	simm.s32 $0x2D0;
	[sflag:s12] =	ssyncadd.s32 $0xFFFFD800  }
0x54: {  	[tilespmem:s8], [sflag:$0x2] =	stream.indirect.gather [hbm4b:s6+s7], $0x80, s24, s7, $0xb8;
	[tilespmem:$0x5400] =	vst v63  }
0x55: {  	_ =	swait.ge [sflag:s9], $0x2800  }
0x56: {  	[sflag:s9] =	ssyncset.done $0x0  }
0x57: {  	s25 =	sadd.s32 $0x8E00, s31;
	[sflag:s9] =	ssyncadd.s32 $0xFFFFD800  }
0x58: {  	[hbm4b:s25+s2] =	stream.linear.scatter [tilespmem:s4], [sflag:$0x3], $0x2800, $0x38;
	[tilespmem:$0x5400] =	vst v63  }
0x59: {  	_ =	swait.ge [sflag:s10], $0x2800  }
0x5a: {  	[sflag:s10] =	ssyncset.done $0x0  }
0x5b: {  	s26 =	sadd.s32 $0x9300, s31;
	[sflag:s10] =	ssyncadd.s32 $0xFFFFD800  }
0x5c: {  	[hbm4b:s26+s2] =	stream.linear.scatter [tilespmem:s8], [sflag:$0x4], $0x2800, $0x38;
	[tilespmem:$0x5400] =	vst v63  }
0x5d: {  	_ =	swait.ge [sflag:s11], $0x2800  }
0x5e: {  	[sflag:s11] =	ssyncset.done $0x0  }
0x5f: {  	s28 =	simm.s32 $0x320;
	[sflag:s11] =	ssyncadd.s32 $0xFFFFD800  }
0x60: {  	[tilespmem:s4], [sflag:$0x1] =	stream.indirect.gather [hbm4b:s6+s7], $0x80, s28, s7, $0xb8;
	[tilespmem:$0x5400] =	vst v63  }
0x61: {  	_ =	swait.ge [sflag:s12], $0x2800  }
0x62: {  	[sflag:s12] =	ssyncset.done $0x0  }
0x63: {  	s29 =	simm.s32 $0x370;
	[sflag:s12] =	ssyncadd.s32 $0xFFFFD800  }
0x64: {  	[tilespmem:s8], [sflag:$0x2] =	stream.indirect.gather [hbm4b:s6+s7], $0x80, s29, s7, $0xb8;
	[tilespmem:$0x5400] =	vst v63  }
0x65: {  	_ =	swait.ge [sflag:s9], $0x2800  }
0x66: {  	s1 =	ssub.s32 $0x2, s1;
	[sflag:s9] =	ssyncset.done $0x0  }
0x67: {  	s0 =	sshrl.u32 s1, $0x1;
	s30 =	sadd.s32 $0x9800, s31;
	[sflag:s9] =	ssyncadd.s32 $0xFFFFD800  }
0x68: {  	[hbm4b:s30+s2] =	stream.linear.scatter [tilespmem:s4], [sflag:$0x3], $0x2800, $0x38;
	[tilespmem:$0x5400] =	vst v63  }
0x69: {  	s0 =	ssub.s32 s1, s0;
	_ =	swait.ge [sflag:s10], $0x2800  }
0x6a: {  	s0 =	smax.u32 s0, $0x1;
	[sflag:s10] =	ssyncset.done $0x0  }
0x6b: {  	p0 =	sne.s32 s0, $0x1;
	s31 =	sadd.s32 $0x9D00, s31;
	[sflag:s10] =	ssyncadd.s32 $0xFFFFD800  }
0x6c: {  	[hbm4b:s31+s2] =	stream.linear.scatter [tilespmem:s8], [sflag:$0x4], $0x2800, $0x38;
	[tilespmem:$0x5400] =	vst v63  }
.Ltmp0:
0x6d: {  	_ =	swait.ge [sflag:s11], $0x2800;
	(pc) =	sbr.rel @!p0 .LBB2_2-.Ltmp0, $4  }
0x6e: {  	[sflag:s11] =	ssyncset.done $0x0  }
0x6f: {  	[sflag:s11] =	ssyncadd.s32 $0xFFFFD800  }
0x70: {  	_ =	swait.ge [sflag:s12], $0x2800  }
0x71: {  	s1 =	sadd.s32 $0xFFFFFFFF, s0;
	[sflag:s12] =	ssyncset.done $0x0  }
.LBB2_1:
0x72: {  	s0 =	rddreg [dreg:$0x2];
	[sflag:s12] =	ssyncadd.s32 $0xFFFFD800  }
0x73: {  	[tilespmem:s2], [sflag:$0x5] =	stream.strided.gather [hbm4b:s0+s3], $0x400, s4, s3, $0x38;
	[tilespmem:$0x5400] =	vst v63  }
0x74: {  	_ =	swait.ge [sflag:s5], $0x400  }
0x75: {  	[sflag:s5] =	ssyncset.done $0x0  }
0x76: {  	[sflag:s5] =	ssyncadd.s32 $0xFFFFFC00  }
0x77: {  	[tilespmem:s4], [sflag:$0x1] =	stream.indirect.gather [hbm4b:s6+s7], $0x80, s2, s7, $0xb8;
	[tilespmem:$0x5400] =	vst v63  }
0x78: {  	_ = 	snop  }
0x79: {  	[tilespmem:s8], [sflag:$0x2] =	stream.indirect.gather [hbm4b:s6+s7], $0x80, s7, s7, $0xb8;
	[tilespmem:$0x5400] =	vst v63  }
0x7a: {  	_ =	swait.ge [sflag:s9], $0x2800  }
0x7b: {  	[sflag:s9] =	ssyncset.done $0x0  }
0x7c: {  	s0 =	rddreg [dreg:$0x3];
	[sflag:s9] =	ssyncadd.s32 $0xFFFFD800  }
0x7d: {  	[hbm4b:s0+s2] =	stream.linear.scatter [tilespmem:s4], [sflag:$0x3], $0x2800, $0x38;
	[tilespmem:$0x5400] =	vst v63  }
0x7e: {  	_ =	swait.ge [sflag:s10], $0x2800  }
0x7f: {  	[sflag:s10] =	ssyncset.done $0x0  }
0x80: {  	s0 =	rddreg [dreg:$0x4];
	[sflag:s10] =	ssyncadd.s32 $0xFFFFD800  }
0x81: {  	[hbm4b:s0+s2] =	stream.linear.scatter [tilespmem:s8], [sflag:$0x4], $0x2800, $0x38;
	[tilespmem:$0x5400] =	vst v63  }
0x82: {  	_ =	swait.ge [sflag:s11], $0x2800  }
0x83: {  	[sflag:s11] =	ssyncset.done $0x0  }
0x84: {  	[sflag:s11] =	ssyncadd.s32 $0xFFFFD800  }
0x85: {  	[tilespmem:s4], [sflag:$0x1] =	stream.indirect.gather [hbm4b:s6+s7], $0x80, s13, s7, $0xb8;
	[tilespmem:$0x5400] =	vst v63  }
0x86: {  	_ =	swait.ge [sflag:s12], $0x2800  }
0x87: {  	[sflag:s12] =	ssyncset.done $0x0  }
0x88: {  	[sflag:s12] =	ssyncadd.s32 $0xFFFFD800  }
0x89: {  	[tilespmem:s8], [sflag:$0x2] =	stream.indirect.gather [hbm4b:s6+s7], $0x80, s14, s7, $0xb8;
	[tilespmem:$0x5400] =	vst v63  }
0x8a: {  	_ =	swait.ge [sflag:s9], $0x2800  }
0x8b: {  	[sflag:s9] =	ssyncset.done $0x0  }
0x8c: {  	s0 =	rddreg [dreg:$0x5];
	[sflag:s9] =	ssyncadd.s32 $0xFFFFD800  }
0x8d: {  	[hbm4b:s0+s2] =	stream.linear.scatter [tilespmem:s4], [sflag:$0x3], $0x2800, $0x38;
	[tilespmem:$0x5400] =	vst v63  }
0x8e: {  	_ =	swait.ge [sflag:s10], $0x2800  }
0x8f: {  	[sflag:s10] =	ssyncset.done $0x0  }
0x90: {  	s0 =	rddreg [dreg:$0x6];
	[sflag:s10] =	ssyncadd.s32 $0xFFFFD800  }
0x91: {  	[hbm4b:s0+s2] =	stream.linear.scatter [tilespmem:s8], [sflag:$0x4], $0x2800, $0x38;
	[tilespmem:$0x5400] =	vst v63  }
0x92: {  	_ =	swait.ge [sflag:s11], $0x2800  }
0x93: {  	[sflag:s11] =	ssyncset.done $0x0  }
0x94: {  	[sflag:s11] =	ssyncadd.s32 $0xFFFFD800  }
0x95: {  	[tilespmem:s4], [sflag:$0x1] =	stream.indirect.gather [hbm4b:s6+s7], $0x80, s15, s7, $0xb8;
	[tilespmem:$0x5400] =	vst v63  }
0x96: {  	_ =	swait.ge [sflag:s12], $0x2800  }
0x97: {  	[sflag:s12] =	ssyncset.done $0x0  }
0x98: {  	[sflag:s12] =	ssyncadd.s32 $0xFFFFD800  }
0x99: {  	[tilespmem:s8], [sflag:$0x2] =	stream.indirect.gather [hbm4b:s6+s7], $0x80, s16, s7, $0xb8;
	[tilespmem:$0x5400] =	vst v63  }
0x9a: {  	_ =	swait.ge [sflag:s9], $0x2800  }
0x9b: {  	[sflag:s9] =	ssyncset.done $0x0  }
0x9c: {  	[sflag:s9] =	ssyncadd.s32 $0xFFFFD800  }
0x9d: {  	[hbm4b:s17+s2] =	stream.linear.scatter [tilespmem:s4], [sflag:$0x3], $0x2800, $0x38;
	[tilespmem:$0x5400] =	vst v63  }
0x9e: {  	_ =	swait.ge [sflag:s10], $0x2800  }
0x9f: {  	[sflag:s10] =	ssyncset.done $0x0  }
0xa0: {  	[sflag:s10] =	ssyncadd.s32 $0xFFFFD800  }
0xa1: {  	[hbm4b:s18+s2] =	stream.linear.scatter [tilespmem:s8], [sflag:$0x4], $0x2800, $0x38;
	[tilespmem:$0x5400] =	vst v63  }
0xa2: {  	_ =	swait.ge [sflag:s11], $0x2800  }
0xa3: {  	[sflag:s11] =	ssyncset.done $0x0  }
0xa4: {  	[sflag:s11] =	ssyncadd.s32 $0xFFFFD800  }
0xa5: {  	[tilespmem:s4], [sflag:$0x1] =	stream.indirect.gather [hbm4b:s6+s7], $0x80, s19, s7, $0xb8;
	[tilespmem:$0x5400] =	vst v63  }
0xa6: {  	_ =	swait.ge [sflag:s12], $0x2800  }
0xa7: {  	[sflag:s12] =	ssyncset.done $0x0  }
0xa8: {  	[sflag:s12] =	ssyncadd.s32 $0xFFFFD800  }
0xa9: {  	[tilespmem:s8], [sflag:$0x2] =	stream.indirect.gather [hbm4b:s6+s7], $0x80, s20, s7, $0xb8;
	[tilespmem:$0x5400] =	vst v63  }
0xaa: {  	_ =	swait.ge [sflag:s9], $0x2800  }
0xab: {  	[sflag:s9] =	ssyncset.done $0x0  }
0xac: {  	[sflag:s9] =	ssyncadd.s32 $0xFFFFD800  }
0xad: {  	[hbm4b:s21+s2] =	stream.linear.scatter [tilespmem:s4], [sflag:$0x3], $0x2800, $0x38;
	[tilespmem:$0x5400] =	vst v63  }
0xae: {  	_ =	swait.ge [sflag:s10], $0x2800  }
0xaf: {  	[sflag:s10] =	ssyncset.done $0x0  }
0xb0: {  	[sflag:s10] =	ssyncadd.s32 $0xFFFFD800  }
0xb1: {  	[hbm4b:s22+s2] =	stream.linear.scatter [tilespmem:s8], [sflag:$0x4], $0x2800, $0x38;
	[tilespmem:$0x5400] =	vst v63  }
0xb2: {  	_ =	swait.ge [sflag:s11], $0x2800  }
0xb3: {  	[sflag:s11] =	ssyncset.done $0x0  }
0xb4: {  	[sflag:s11] =	ssyncadd.s32 $0xFFFFD800  }
0xb5: {  	[tilespmem:s4], [sflag:$0x1] =	stream.indirect.gather [hbm4b:s6+s7], $0x80, s23, s7, $0xb8;
	[tilespmem:$0x5400] =	vst v63  }
0xb6: {  	_ =	swait.ge [sflag:s12], $0x2800  }
0xb7: {  	[sflag:s12] =	ssyncset.done $0x0  }
0xb8: {  	[sflag:s12] =	ssyncadd.s32 $0xFFFFD800  }
0xb9: {  	[tilespmem:s8], [sflag:$0x2] =	stream.indirect.gather [hbm4b:s6+s7], $0x80, s24, s7, $0xb8;
	[tilespmem:$0x5400] =	vst v63  }
0xba: {  	_ =	swait.ge [sflag:s9], $0x2800  }
0xbb: {  	[sflag:s9] =	ssyncset.done $0x0  }
0xbc: {  	[sflag:s9] =	ssyncadd.s32 $0xFFFFD800  }
0xbd: {  	[hbm4b:s25+s2] =	stream.linear.scatter [tilespmem:s4], [sflag:$0x3], $0x2800, $0x38;
	[tilespmem:$0x5400] =	vst v63  }
0xbe: {  	_ =	swait.ge [sflag:s10], $0x2800  }
0xbf: {  	[sflag:s10] =	ssyncset.done $0x0  }
0xc0: {  	[sflag:s10] =	ssyncadd.s32 $0xFFFFD800  }
0xc1: {  	[hbm4b:s26+s2] =	stream.linear.scatter [tilespmem:s8], [sflag:$0x4], $0x2800, $0x38;
	[tilespmem:$0x5400] =	vst v63  }
0xc2: {  	_ =	swait.ge [sflag:s11], $0x2800  }
0xc3: {  	[sflag:s11] =	ssyncset.done $0x0  }
0xc4: {  	[sflag:s11] =	ssyncadd.s32 $0xFFFFD800  }
0xc5: {  	[tilespmem:s4], [sflag:$0x1] =	stream.indirect.gather [hbm4b:s6+s7], $0x80, s28, s7, $0xb8;
	[tilespmem:$0x5400] =	vst v63  }
0xc6: {  	_ =	swait.ge [sflag:s12], $0x2800  }
0xc7: {  	[sflag:s12] =	ssyncset.done $0x0  }
0xc8: {  	[sflag:s12] =	ssyncadd.s32 $0xFFFFD800  }
0xc9: {  	[tilespmem:s8], [sflag:$0x2] =	stream.indirect.gather [hbm4b:s6+s7], $0x80, s29, s7, $0xb8;
	[tilespmem:$0x5400] =	vst v63  }
0xca: {  	_ =	swait.ge [sflag:s9], $0x2800  }
0xcb: {  	[sflag:s9] =	ssyncset.done $0x0  }
0xcc: {  	[sflag:s9] =	ssyncadd.s32 $0xFFFFD800  }
0xcd: {  	[hbm4b:s30+s2] =	stream.linear.scatter [tilespmem:s4], [sflag:$0x3], $0x2800, $0x38;
	[tilespmem:$0x5400] =	vst v63  }
0xce: {  	_ =	swait.ge [sflag:s10], $0x2800  }
0xcf: {  	[sflag:s10] =	ssyncset.done $0x0  }
0xd0: {  	p0 =	sne.s32 s1, $0x1;
	[sflag:s10] =	ssyncadd.s32 $0xFFFFD800  }
0xd1: {  	[hbm4b:s31+s2] =	stream.linear.scatter [tilespmem:s8], [sflag:$0x4], $0x2800, $0x38;
	[tilespmem:$0x5400] =	vst v63  }
.Ltmp1:
0xd2: {  	_ =	swait.ge [sflag:s11], $0x2800;
	(pc) =	sbr.rel @p0 .LBB2_1-.Ltmp1, $4  }
0xd3: {  	[sflag:s11] =	ssyncset.done $0x0  }
0xd4: {  	[sflag:s11] =	ssyncadd.s32 $0xFFFFD800  }
0xd5: {  	_ =	swait.ge [sflag:s12], $0x2800  }
0xd6: {  	s1 =	sadd.s32 $0xFFFFFFFF, s1;
	[sflag:s12] =	ssyncset.done $0x0  }
.LBB2_2:
0xd7: {  	[sflag:s12] =	ssyncadd.s32 $0xFFFFD800  }
0xd8: {  	_ =	sfence.sel $0x180000  }
0xd9: {  	[bflag:$0x0] =	sbarrier.arrive $0xFFFF  }
0xda: {  	_ =	strace $0x9000004A  }
0xdb: {  	s0 =	stileid.u32;
	[bflag:$0x2] =	sbarrier.arrive $0xFFFF  }
0xdc: {  	p0 =	sne.s32 s0, $0x0;
	s0 =	rddreg [dreg:$0x1]  }
0xdd: {  	s0 =	sadd.s32 @!p0 $0x100000, s0  }
0xde: {  	[sflag:s0] =	ssyncadd.tile.s32 @!p0 $0x1;
	_ =	shalt  }
.Lfunc_end2:
_tile_overlayer_lowered:
.L_overlay_start_2:
0xdf: {  	(tag) =	ssettag $0x2  }
0xe0: {  	s0 =	rddreg [dreg:$0x0];
	s2 =	stileid.u32  }
0xe1: {  	s1 =	rddreg [dreg:$0x1];
	p0 =	sne.s32 s2, $0x0  }
0xe2: {  	s3 =	rddreg [dreg:$0x2];
	[bflag:$0x3] =	sbarrier.arrive $0xFFFF;
	s2 =	simm.s32 @!p0 $0x1C05  }
0xe3: {  	[timem:s3], [sflag:s2] =	dma.local @!p0 [hbm:s0], s1  }
0xe4: {  	s0 =	simm.s32 @!p0 $0x5  }
0xe5: {  	_ =	swait.ge @!p0 [sflag:s0], s1  }
0xe6: {  	s1 =	ssub.s32 @!p0 $0x0, s1;
	[sflag:s0] =	ssyncset.done @!p0 $0x0  }
0xe7: {  	[sflag:s0] =	ssyncadd.s32 @!p0 s1  }
0xe8: {  	[bflag:$0x3] =	sbarrier.arrive $0xFFFF  }
0xe9: {  	_ =	shalt  }

</sc_bundles>
